<compile_context>
chip_gen: v7x
topology: tpu7x:2x2x1
jax: 0.10.2.dev20260603
libtpu: 0.0.44.dev20260713+nightly
codegen_flags: <defaults>
</compile_context>

<pallas_src>
import functools

import jax
import jax.numpy as jnp
from jax import lax
from jax.experimental import pallas as pl
from jax.experimental.pallas import tpu as pltpu
from jax.experimental.pallas import tpu_sc as plsc

E = 16
D_MODEL = 1024
D_FF = 2048
N_TOK = 2048
BP = 256
CH = 128
G = N_TOK // BP + E
P = G * BP


def _router_body(x_ref, wg_ref, pos_ref, te_ref, row_ref, valid_ref):
    x = x_ref[...]
    wg = wg_ref[...]
    logits = lax.dot_general(x, wg, (((1,), (1,)), ((), ())),
                             preferred_element_type=jnp.float32)
    maxv = jnp.max(logits, axis=1, keepdims=True)
    col = lax.broadcasted_iota(jnp.int32, logits.shape, 1)
    cand = jnp.where(logits == maxv, col, jnp.int32(E))
    eid = jnp.min(cand, axis=1, keepdims=True)
    mask = (col == eid).astype(jnp.float32)

    counts = jnp.sum(mask, axis=0, keepdims=True)

    nblk = jnp.ceil(counts * (1.0 / BP))
    ei = lax.broadcasted_iota(jnp.int32, (E, E), 0)
    ej = lax.broadcasted_iota(jnp.int32, (E, E), 1)
    lt_e = (ei < ej).astype(jnp.float32)
    tstart = lax.dot_general(nblk, lt_e, (((1,), (0,)), ((), ())),
                             preferred_element_type=jnp.float32)
    run = tstart * BP

    tend = tstart + nblk
    total = jnp.sum(nblk, keepdims=True)
    gi = lax.broadcasted_iota(jnp.int32, (G, 1), 0).astype(jnp.float32)
    gclamp = jnp.minimum(gi, total - 1.0)
    te = jnp.sum((gclamp >= tend).astype(jnp.float32), axis=1, keepdims=True)
    te_ref[...] = jnp.minimum(te, float(E - 1)).astype(jnp.int32)
    row_ref[...] = gclamp.astype(jnp.int32)
    valid_ref[...] = (gi < total).astype(jnp.int32)

    ri = lax.broadcasted_iota(jnp.int32, (CH, CH), 0)
    rj = lax.broadcasted_iota(jnp.int32, (CH, CH), 1)
    lt_c = (rj < ri).astype(jnp.float32)
    for i in range(N_TOK // CH):
        m = mask[i * CH:(i + 1) * CH, :]
        rm = lax.dot_general(lt_c, m, (((1,), (0,)), ((), ())),
                             preferred_element_type=jnp.float32) + run
        p = jnp.sum(rm * m, axis=1, keepdims=True)
        pos_ref[pl.ds(i * CH, CH), :] = p.astype(jnp.int32)
        run = run + jnp.sum(m, axis=0, keepdims=True)


def _route(xs, Wg):
    return pl.pallas_call(
        _router_body,
        out_shape=(
            jax.ShapeDtypeStruct((N_TOK, 1), jnp.int32),
            jax.ShapeDtypeStruct((G, 1), jnp.int32),
            jax.ShapeDtypeStruct((G, 1), jnp.int32),
            jax.ShapeDtypeStruct((G, 1), jnp.int32),
        ),
    )(xs, Wg)


def _ffn_body(te_ref, row_ref, valid_ref, pos_ref, x_ref,
              w1_ref, w3_ref, w2_ref, o_ref):
    g = pl.program_id(0)

    @pl.when(valid_ref[g] == 1)
    def _():
        pos = pos_ref[...]
        target = (row_ref[g] * BP
                  + lax.broadcasted_iota(jnp.int32, (BP, N_TOK), 0))
        sel = (pos == target).astype(jnp.float32)
        xb = lax.dot_general(sel, x_ref[...], (((1,), (0,)), ((), ())),
                             preferred_element_type=jnp.float32)
        w1 = w1_ref[0]
        w3 = w3_ref[0]
        w2 = w2_ref[0]
        a = lax.dot_general(xb, w1, (((1,), (1,)), ((), ())),
                            preferred_element_type=jnp.float32)
        b = lax.dot_general(xb, w3, (((1,), (1,)), ((), ())),
                            preferred_element_type=jnp.float32)
        h = a / (1.0 + jnp.exp(-a)) * b
        o_ref[...] = lax.dot_general(h, w2, (((1,), (1,)), ((), ())),
                                     preferred_element_type=jnp.float32)


def _ffn(te, row, valid, pos_row, xs, W1, W3, W2):
    grid_spec = pltpu.PrefetchScalarGridSpec(
        num_scalar_prefetch=3,
        grid=(G,),
        in_specs=[
            pl.BlockSpec((1, N_TOK), lambda g, te, row, valid: (0, 0)),
            pl.BlockSpec((N_TOK, D_MODEL), lambda g, te, row, valid: (0, 0)),
            pl.BlockSpec((1, D_FF, D_MODEL),
                         lambda g, te, row, valid: (te[g], 0, 0)),
            pl.BlockSpec((1, D_FF, D_MODEL),
                         lambda g, te, row, valid: (te[g], 0, 0)),
            pl.BlockSpec((1, D_MODEL, D_FF),
                         lambda g, te, row, valid: (te[g], 0, 0)),
        ],
        out_specs=pl.BlockSpec((BP, D_MODEL),
                               lambda g, te, row, valid: (row[g], 0)),
    )
    return pl.pallas_call(
        _ffn_body,
        grid_spec=grid_spec,
        out_shape=jax.ShapeDtypeStruct((P, D_MODEL), jnp.float32),
        compiler_params=pltpu.CompilerParams(
            vmem_limit_bytes=128 * 1024 * 1024),
    )(te, row, valid, pos_row, xs, W1, W3, W2)


@functools.lru_cache(maxsize=None)
def _sc_undispatch():
    info = plsc.get_sparse_core_info()
    nc, ns = info.num_cores, info.num_subcores
    nw = nc * ns
    rpw = N_TOK // nw
    mesh = plsc.VectorSubcoreMesh(core_axis_name="c", subcore_axis_name="s")

    @functools.partial(
        pl.kernel, mesh=mesh,
        out_type=jax.ShapeDtypeStruct((N_TOK, D_MODEL), jnp.float32),
        scratch_types=[
            pltpu.VMEM((rpw,), jnp.int32),
            pltpu.VMEM((rpw, D_MODEL), jnp.float32),
            pltpu.SemaphoreType.DMA,
        ],
    )
    def undispatch(tab_hbm, pos_hbm, out_hbm, idx_v, rows_v, sem):
        wid = lax.axis_index("s") * nc + lax.axis_index("c")
        base = wid * rpw
        pltpu.sync_copy(pos_hbm.at[pl.ds(base, rpw)], idx_v)
        pltpu.async_copy(tab_hbm.at[idx_v], rows_v, sem).wait()
        pltpu.sync_copy(rows_v, out_hbm.at[pl.ds(base, rpw)])

    return undispatch


def kernel(x, Wg, W1, W2, W3):
    xs = x.reshape(-1, x.shape[-1])
    pos2d, te2d, row2d, valid2d = _route(xs, Wg)
    pos = pos2d.reshape(-1)
    te = te2d.reshape(-1)
    row = row2d.reshape(-1)
    valid = valid2d.reshape(-1)

    undispatch = _sc_undispatch()
    pos_row = pos2d.reshape(1, N_TOK)
    out_sorted = _ffn(te, row, valid, pos_row, xs, W1, W3, W2)
    out = undispatch(out_sorted, pos)
    return out.reshape(x.shape)

# --- scband reference (transcript-rebuilt; emitter-appended) ---
"""Pipeline reference for scband-mistral-moe-layer-17042430231376 (READ-ONLY COPY).

The authoritative reference and input builder live on the scoring server;
editing this copy changes nothing except your own understanding.
"""

import jax, jax.numpy as jnp
import numpy as np

E = 16
TOP_K = 1
D_MODEL = 1024
D_FF = 2048
BATCH = 1
SEQ = 2048


def setup_inputs(seed: int = 0) -> dict:
    key = jax.random.key(seed)
    ks = jax.random.split(key, 5)
    x = jax.random.normal(ks[0], (BATCH, SEQ, D_MODEL), dtype=jnp.float32)
    Wg = jax.random.normal(ks[1], (E, D_MODEL), dtype=jnp.float32) * 0.02
    W1 = jax.random.normal(ks[2], (E, D_FF, D_MODEL), dtype=jnp.float32) * 0.02
    W2 = jax.random.normal(ks[3], (E, D_MODEL, D_FF), dtype=jnp.float32) * 0.02
    W3 = jax.random.normal(ks[4], (E, D_FF, D_MODEL), dtype=jnp.float32) * 0.02
    return {"x": x, "Wg": Wg, "W1": W1, "W2": W2, "W3": W3}


def reference(x, Wg, W1, W2, W3):
    # x_squashed = x.view(-1, d_model)
    xs = x.reshape(-1, x.shape[-1])
    # gate_logits = self.gate(x_squashed)  (nn.Linear, no bias)
    gate_logits = xs @ Wg.T
    # weights, selected_experts = torch.topk(gate_logits, num_experts_per_tok)
    top_vals, selected = jax.lax.top_k(gate_logits, TOP_K)
    # weights = softmax(weights, dim=1, dtype=float).type_as(x)
    weights = jax.nn.softmax(top_vals.astype(jnp.float32), axis=1).astype(x.dtype)
    results = jnp.zeros_like(xs)
    for i in range(E):
        # batch_idx, nth_expert = torch.where(selected_experts == i)
        w_i = jnp.sum(jnp.where(selected == i, weights, jnp.zeros_like(weights)), axis=1)
        # MistralFeedForwardHf: w2(silu(w1(x)) * w3(x))
        h = jax.nn.silu(xs @ W1[i].T) * (xs @ W3[i].T)
        out = h @ W2[i].T
        contrib = w_i[:, None] * out
        # results[batch_idx] += ...
        results = results + contrib
    return results.reshape(x.shape)

if __name__ == "__main__":
    import jax
    _d = setup_inputs()
    print(jax.jit(kernel)(*tuple(_d.values())))

</pallas_src>

<mosaic_0001>
#map = affine_map<(d0, d1) -> (0, 0)>
#map1 = affine_map<(d0, d1) -> (0)>
module attributes {stable_mosaic.version = 14 : i64} {
  func.func @undispatch(%arg0: i32, %arg1: i32, %arg2: memref<6144x1024xf32, #tpu.memory_space<hbm>>, %arg3: memref<2048xi32, #tpu.memory_space<hbm>>, %arg4: memref<2048x1024xf32, #tpu.memory_space<hbm>>, %arg5: memref<64xi32, #tpu.memory_space<vmem>>, %arg6: memref<64x1024xf32, #tpu.memory_space<vmem>>, %arg7: memref<!tpu.dma_semaphore, #tpu.memory_space<semaphore_mem>>) attributes {dimension_semantics = [#tpu.dimension_semantics<core_parallel>, #tpu.dimension_semantics<subcore_parallel>], iteration_bounds = array<i64: 2, 16>, scalar_prefetch = 0 : i64, scratch_operands = 3 : i64, tpu.core_type = #tpu.core_type<sc_vector_subcore>, window_params = [{transform_indices = #map}, {transform_indices = #map1}, {transform_indices = #map}]} {
    %mul3A = arith.constant 2 : i32
    %mul3A_0 = arith.muli %arg1, %mul3A : i32
    %add3A = arith.addi %mul3A_0, %arg0 : i32
    %mul3A_1 = arith.constant 64 : i32
    %mul3A_2 = arith.muli %add3A, %mul3A_1 : i32
    "tpu.region"() ({
      %run_scoped3A = tpu.sem_alloc : memref<!tpu.dma_semaphore, #tpu.memory_space<semaphore_mem>>
      %dma_start3A_7 = tpu.memref_slice %arg3[%mul3A_2] : memref<2048xi32, #tpu.memory_space<hbm>> -> memref<64xi32, #tpu.memory_space<hbm>>
      %dma_start3A_8 = tpu.memref_slice %arg3[%mul3A_2] : memref<2048xi32, #tpu.memory_space<hbm>> -> memref<64xi32, #tpu.memory_space<hbm>>
      tpu.enqueue_dma source(%dma_start3A_8 : memref<64xi32, #tpu.memory_space<hbm>>) target(%arg5 : memref<64xi32, #tpu.memory_space<vmem>>) target_semaphore(%run_scoped3A : memref<!tpu.dma_semaphore, #tpu.memory_space<semaphore_mem>>)
      %dma_wait3A_9 = tpu.memref_slice %arg3[%mul3A_2] : memref<2048xi32, #tpu.memory_space<hbm>> -> memref<64xi32, #tpu.memory_space<hbm>>
      %dma_wait3A_10 = tpu.memref_slice %arg3[%mul3A_2] : memref<2048xi32, #tpu.memory_space<hbm>> -> memref<64xi32, #tpu.memory_space<hbm>>
      tpu.wait_dma2 semaphore(%run_scoped3A : memref<!tpu.dma_semaphore, #tpu.memory_space<semaphore_mem>>) src(%dma_wait3A_10 : memref<64xi32, #tpu.memory_space<hbm>>) dst(%arg5 : memref<64xi32, #tpu.memory_space<vmem>>)
      tpu.yield
    }) : () -> ()
    %dma_start3A = arith.constant 0 : i32
    %dma_start3A_3 = arith.constant 0 : i32
    %dma_start3A_4 = tpu.memref_slice %arg2[%dma_start3A, %dma_start3A_3] : memref<6144x1024xf32, #tpu.memory_space<hbm>> -> memref<6144x1024xf32, #tpu.memory_space<hbm>>
    tpu.enqueue_indirect_dma source(%dma_start3A_4 : memref<6144x1024xf32, #tpu.memory_space<hbm>>) target(%arg6 : memref<64x1024xf32, #tpu.memory_space<vmem>>) offsets(%arg5 : memref<64xi32, #tpu.memory_space<vmem>>) semaphore(%arg7 : memref<!tpu.dma_semaphore, #tpu.memory_space<semaphore_mem>>)
    %dma_wait3A = arith.constant 0 : i32
    %dma_wait3A_5 = arith.constant 0 : i32
    %dma_wait3A_6 = tpu.memref_slice %arg2[%dma_wait3A, %dma_wait3A_5] : memref<6144x1024xf32, #tpu.memory_space<hbm>> -> memref<6144x1024xf32, #tpu.memory_space<hbm>>
    tpu.wait_indirect_dma semaphore(%arg7 : memref<!tpu.dma_semaphore, #tpu.memory_space<semaphore_mem>>) src(%dma_wait3A_6 : memref<6144x1024xf32, #tpu.memory_space<hbm>>) dst(%arg6 : memref<64x1024xf32, #tpu.memory_space<vmem>>)
    "tpu.region"() ({
      %run_scoped3A = tpu.sem_alloc : memref<!tpu.dma_semaphore, #tpu.memory_space<semaphore_mem>>
      %dma_start3A_7 = arith.constant 0 : i32
      %dma_start3A_8 = tpu.memref_slice %arg4[%mul3A_2, %dma_start3A_7] : memref<2048x1024xf32, #tpu.memory_space<hbm>> -> memref<64x1024xf32, #tpu.memory_space<hbm>>
      %dma_start3A_9 = arith.constant 0 : i32
      %dma_start3A_10 = tpu.memref_slice %arg4[%mul3A_2, %dma_start3A_9] : memref<2048x1024xf32, #tpu.memory_space<hbm>> -> memref<64x1024xf32, #tpu.memory_space<hbm>>
      tpu.enqueue_dma source(%arg6 : memref<64x1024xf32, #tpu.memory_space<vmem>>) target(%dma_start3A_10 : memref<64x1024xf32, #tpu.memory_space<hbm>>) target_semaphore(%run_scoped3A : memref<!tpu.dma_semaphore, #tpu.memory_space<semaphore_mem>>)
      %dma_wait3A_11 = arith.constant 0 : i32
      %dma_wait3A_12 = tpu.memref_slice %arg4[%mul3A_2, %dma_wait3A_11] : memref<2048x1024xf32, #tpu.memory_space<hbm>> -> memref<64x1024xf32, #tpu.memory_space<hbm>>
      %dma_wait3A_13 = arith.constant 0 : i32
      %dma_wait3A_14 = tpu.memref_slice %arg4[%mul3A_2, %dma_wait3A_13] : memref<2048x1024xf32, #tpu.memory_space<hbm>> -> memref<64x1024xf32, #tpu.memory_space<hbm>>
      tpu.wait_dma2 semaphore(%run_scoped3A : memref<!tpu.dma_semaphore, #tpu.memory_space<semaphore_mem>>) src(%arg6 : memref<64x1024xf32, #tpu.memory_space<vmem>>) dst(%dma_wait3A_14 : memref<64x1024xf32, #tpu.memory_space<hbm>>)
      tpu.yield
    }) : () -> ()
    return
  }
}

module attributes {stable_mosaic.version = 14 : i64} {
  func.func @_ffn_body(%arg0: i32, %arg1: memref<24xi32, #tpu.memory_space<smem>>, %arg2: memref<24xi32, #tpu.memory_space<smem>>, %arg3: memref<24xi32, #tpu.memory_space<smem>>, %arg4: memref<1x2048xi32, #tpu.memory_space<vmem>>, %arg5: memref<2048x1024xf32, #tpu.memory_space<vmem>>, %arg6: memref<1x2048x1024xf32, #tpu.memory_space<vmem>>, %arg7: memref<1x2048x1024xf32, #tpu.memory_space<vmem>>, %arg8: memref<1x1024x2048xf32, #tpu.memory_space<vmem>>, %arg9: memref<256x1024xf32, #tpu.memory_space<vmem>>) attributes {dimension_semantics = [#tpu.dimension_semantics<arbitrary>], iteration_bounds = array<i64: 24>, scalar_prefetch = 3 : i64, scratch_operands = 0 : i64, tpu.core_type = #tpu.core_type<tc>, window_params = [{pipeline_mode = #tpu.pipeline_mode<synchronous>, transform_indices = @transform_0, window_bounds = array<i64: 1, 2048>}, {pipeline_mode = #tpu.pipeline_mode<synchronous>, transform_indices = @transform_1, window_bounds = array<i64: 2048, 1024>}, {transform_indices = @transform_2, window_bounds = array<i64: 1, 2048, 1024>}, {transform_indices = @transform_3, window_bounds = array<i64: 1, 2048, 1024>}, {transform_indices = @transform_4, window_bounds = array<i64: 1, 1024, 2048>}, {transform_indices = @transform_5, window_bounds = array<i64: 256, 1024>}]} {
    %get3A = arith.index_cast %arg0 : i32 to index
    %get3A_0 = memref.load %arg3[%get3A] : memref<24xi32, #tpu.memory_space<smem>>
    %eq3A = arith.constant 1 : i32
    %eq3A_1 = arith.cmpi eq, %get3A_0, %eq3A : i32
    %convert_element_type3A = arith.extui %eq3A_1 : i1 to i32
    %cond3A = arith.constant 0 : i32
    %cond3A_2 = arith.cmpi ne, %convert_element_type3A, %cond3A : i32
    scf.if %cond3A_2 {
      %get3A_3 = arith.constant 0 : index
      %get3A_4 = arith.constant 0 : index
      %get3A_5 = vector.load %arg4[%get3A_3, %get3A_4] : memref<1x2048xi32, #tpu.memory_space<vmem>>, vector<1x2048xi32>
      %get3A_6 = arith.index_cast %arg0 : i32 to index
      %get3A_7 = memref.load %arg2[%get3A_6] : memref<24xi32, #tpu.memory_space<smem>>
      %mul3A = arith.constant 256 : i32
      %mul3A_8 = arith.muli %get3A_7, %mul3A : i32
      %iota3A = tpu.iota {dimensions = array<i32: 0>} : vector<256x2048xi32>
      %add3A = vector.broadcast %mul3A_8 : i32 to vector<256x2048xi32>
      %add3A_9 = arith.addi %add3A, %iota3A : vector<256x2048xi32>
      %eq3A_10 = vector.broadcast %get3A_5 : vector<1x2048xi32> to vector<256x2048xi32>
      %eq3A_11 = arith.cmpi eq, %eq3A_10, %add3A_9 : vector<256x2048xi32>
      %convert_element_type3A_12 = arith.extui %eq3A_11 : vector<256x2048xi1> to vector<256x2048xi32>
      %convert_element_type3A_13 = arith.sitofp %convert_element_type3A_12 : vector<256x2048xi32> to vector<256x2048xf32>
      %get3A_14 = arith.constant 0 : index
      %get3A_15 = arith.constant 0 : index
      %get3A_16 = vector.load %arg5[%get3A_14, %get3A_15] : memref<2048x1024xf32, #tpu.memory_space<vmem>>, vector<2048x1024xf32>
      %dot_general3A = arith.constant dense<0.000000e+00> : vector<256x1024xf32>
      %dot_general3A_17 = tpu.matmul %convert_element_type3A_13, %get3A_16, %dot_general3A {dimension_numbers = #tpu.dot_dimension_numbers<[1], [0], [0], [1], [0, 0, 1, 1], [], []>, transpose_lhs_hint = false} : vector<256x2048xf32>, vector<2048x1024xf32>, vector<256x1024xf32> -> vector<256x1024xf32>
      %get3A_18 = arith.constant 0 : index
      %get3A_19 = arith.constant 0 : index
      %get3A_20 = arith.constant 0 : index
      %get3A_21 = vector.load %arg6[%get3A_18, %get3A_19, %get3A_20] : memref<1x2048x1024xf32, #tpu.memory_space<vmem>>, vector<1x2048x1024xf32>
      %get3A_22 = vector.shape_cast %get3A_21 : vector<1x2048x1024xf32> to vector<2048x1024xf32>
      %get3A_23 = arith.constant 0 : index
      %get3A_24 = arith.constant 0 : index
      %get3A_25 = arith.constant 0 : index
      %get3A_26 = vector.load %arg7[%get3A_23, %get3A_24, %get3A_25] : memref<1x2048x1024xf32, #tpu.memory_space<vmem>>, vector<1x2048x1024xf32>
      %get3A_27 = vector.shape_cast %get3A_26 : vector<1x2048x1024xf32> to vector<2048x1024xf32>
      %get3A_28 = arith.constant 0 : index
      %get3A_29 = arith.constant 0 : index
      %get3A_30 = arith.constant 0 : index
      %get3A_31 = vector.load %arg8[%get3A_28, %get3A_29, %get3A_30] : memref<1x1024x2048xf32, #tpu.memory_space<vmem>>, vector<1x1024x2048xf32>
      %get3A_32 = vector.shape_cast %get3A_31 : vector<1x1024x2048xf32> to vector<1024x2048xf32>
      %dot_general3A_33 = arith.constant dense<0.000000e+00> : vector<256x2048xf32>
      %dot_general3A_34 = tpu.matmul %dot_general3A_17, %get3A_22, %dot_general3A_33 {dimension_numbers = #tpu.dot_dimension_numbers<[1], [1], [0], [0], [0, 0, 1, 0], [], []>, transpose_lhs_hint = false} : vector<256x1024xf32>, vector<2048x1024xf32>, vector<256x2048xf32> -> vector<256x2048xf32>
      %dot_general3A_35 = arith.constant dense<0.000000e+00> : vector<256x2048xf32>
      %dot_general3A_36 = tpu.matmul %dot_general3A_17, %get3A_27, %dot_general3A_35 {dimension_numbers = #tpu.dot_dimension_numbers<[1], [1], [0], [0], [0, 0, 1, 0], [], []>, transpose_lhs_hint = false} : vector<256x1024xf32>, vector<2048x1024xf32>, vector<256x2048xf32> -> vector<256x2048xf32>
      %neg3A = arith.constant 0.000000e+00 : f32
      %neg3A_37 = vector.broadcast %neg3A : f32 to vector<256x2048xf32>
      %neg3A_38 = arith.subf %neg3A_37, %dot_general3A_34 : vector<256x2048xf32>
      %exp3A = math.exp %neg3A_38 : vector<256x2048xf32>
      %add3A_39 = arith.constant 1.000000e+00 : f32
      %add3A_40 = vector.broadcast %add3A_39 : f32 to vector<256x2048xf32>
      %add3A_41 = arith.addf %add3A_40, %exp3A : vector<256x2048xf32>
      %div3A = arith.divf %dot_general3A_34, %add3A_41 : vector<256x2048xf32>
      %mul3A_42 = arith.mulf %div3A, %dot_general3A_36 : vector<256x2048xf32>
      %dot_general3A_43 = arith.constant dense<0.000000e+00> : vector<256x1024xf32>
      %dot_general3A_44 = tpu.matmul %mul3A_42, %get3A_32, %dot_general3A_43 {dimension_numbers = #tpu.dot_dimension_numbers<[1], [1], [0], [0], [0, 0, 1, 0], [], []>, transpose_lhs_hint = false} : vector<256x2048xf32>, vector<1024x2048xf32>, vector<256x1024xf32> -> vector<256x1024xf32>
      %swap3A = arith.constant 0 : index
      %swap3A_45 = arith.constant 0 : index
      %swap3A_46 = vector.load %arg9[%swap3A, %swap3A_45] : memref<256x1024xf32, #tpu.memory_space<vmem>>, vector<256x1024xf32>
      tpu.vector_store %arg9[%swap3A, %swap3A_45], %dot_general3A_44 {strides = array<i32>} : memref<256x1024xf32, #tpu.memory_space<vmem>>, vector<256x1024xf32>,
    } else {
    }
    return
  }
  func.func @transform_0(%arg0: i32, %arg1: memref<24xi32, #tpu.memory_space<smem>>, %arg2: memref<24xi32, #tpu.memory_space<smem>>, %arg3: memref<24xi32, #tpu.memory_space<smem>>) -> (i32, i32) {
    %c0_i32 = arith.constant 0 : i32
    %c0_i32_0 = arith.constant 0 : i32
    %c0_i32_1 = arith.constant 0 : i32
    return %c0_i32, %c0_i32_0 : i32, i32
  }
  func.func @transform_1(%arg0: i32, %arg1: memref<24xi32, #tpu.memory_space<smem>>, %arg2: memref<24xi32, #tpu.memory_space<smem>>, %arg3: memref<24xi32, #tpu.memory_space<smem>>) -> (i32, i32) {
    %c0_i32 = arith.constant 0 : i32
    %c0_i32_0 = arith.constant 0 : i32
    %c0_i32_1 = arith.constant 0 : i32
    return %c0_i32, %c0_i32_0 : i32, i32
  }
  func.func @transform_2(%arg0: i32, %arg1: memref<24xi32, #tpu.memory_space<smem>>, %arg2: memref<24xi32, #tpu.memory_space<smem>>, %arg3: memref<24xi32, #tpu.memory_space<smem>>) -> (i32, i32, i32) {
    %get3A = arith.index_cast %arg0 : i32 to index
    %get3A_0 = memref.load %arg1[%get3A] : memref<24xi32, #tpu.memory_space<smem>>
    %c0_i32 = arith.constant 0 : i32
    %c0_i32_1 = arith.constant 0 : i32
    %c0_i32_2 = arith.constant 0 : i32
    return %get3A_0, %c0_i32, %c0_i32_1 : i32, i32, i32
  }
  func.func @transform_3(%arg0: i32, %arg1: memref<24xi32, #tpu.memory_space<smem>>, %arg2: memref<24xi32, #tpu.memory_space<smem>>, %arg3: memref<24xi32, #tpu.memory_space<smem>>) -> (i32, i32, i32) {
    %get3A = arith.index_cast %arg0 : i32 to index
    %get3A_0 = memref.load %arg1[%get3A] : memref<24xi32, #tpu.memory_space<smem>>
    %c0_i32 = arith.constant 0 : i32
    %c0_i32_1 = arith.constant 0 : i32
    %c0_i32_2 = arith.constant 0 : i32
    return %get3A_0, %c0_i32, %c0_i32_1 : i32, i32, i32
  }
  func.func @transform_4(%arg0: i32, %arg1: memref<24xi32, #tpu.memory_space<smem>>, %arg2: memref<24xi32, #tpu.memory_space<smem>>, %arg3: memref<24xi32, #tpu.memory_space<smem>>) -> (i32, i32, i32) {
    %get3A = arith.index_cast %arg0 : i32 to index
    %get3A_0 = memref.load %arg1[%get3A] : memref<24xi32, #tpu.memory_space<smem>>
    %c0_i32 = arith.constant 0 : i32
    %c0_i32_1 = arith.constant 0 : i32
    %c0_i32_2 = arith.constant 0 : i32
    return %get3A_0, %c0_i32, %c0_i32_1 : i32, i32, i32
  }
  func.func @transform_5(%arg0: i32, %arg1: memref<24xi32, #tpu.memory_space<smem>>, %arg2: memref<24xi32, #tpu.memory_space<smem>>, %arg3: memref<24xi32, #tpu.memory_space<smem>>) -> (i32, i32) {
    %get3A = arith.index_cast %arg0 : i32 to index
    %get3A_0 = memref.load %arg2[%get3A] : memref<24xi32, #tpu.memory_space<smem>>
    %c0_i32 = arith.constant 0 : i32
    %c0_i32_1 = arith.constant 0 : i32
    return %get3A_0, %c0_i32 : i32, i32
  }
}

module attributes {stable_mosaic.version = 14 : i64} {
  func.func @_router_body(%arg0: memref<2048x1024xf32, #tpu.memory_space<vmem>>, %arg1: memref<16x1024xf32, #tpu.memory_space<vmem>>, %arg2: memref<2048x1xi32, #tpu.memory_space<vmem>>, %arg3: memref<24x1xi32, #tpu.memory_space<vmem>>, %arg4: memref<24x1xi32, #tpu.memory_space<vmem>>, %arg5: memref<24x1xi32, #tpu.memory_space<vmem>>) attributes {dimension_semantics = [], scalar_prefetch = 0 : i64, scratch_operands = 0 : i64, tpu.core_type = #tpu.core_type<tc>} {
    %get3A = arith.constant 0 : index
    %get3A_0 = arith.constant 0 : index
    %get3A_1 = vector.load %arg0[%get3A, %get3A_0] : memref<2048x1024xf32, #tpu.memory_space<vmem>>, vector<2048x1024xf32>
    %get3A_2 = arith.constant 0 : index
    %get3A_3 = arith.constant 0 : index
    %get3A_4 = vector.load %arg1[%get3A_2, %get3A_3] : memref<16x1024xf32, #tpu.memory_space<vmem>>, vector<16x1024xf32>
    %dot_general3A = arith.constant dense<0.000000e+00> : vector<2048x16xf32>
    %dot_general3A_5 = tpu.matmul %get3A_1, %get3A_4, %dot_general3A {dimension_numbers = #tpu.dot_dimension_numbers<[1], [1], [0], [0], [0, 0, 1, 0], [], []>, transpose_lhs_hint = false} : vector<2048x1024xf32>, vector<16x1024xf32>, vector<2048x16xf32> -> vector<2048x16xf32>
    %reduce_max3A = arith.constant dense<0xFF800000> : vector<2048xf32>
    %reduce_max3A_6 = vector.multi_reduction <maximumf>, %dot_general3A_5, %reduce_max3A [1] : vector<2048x16xf32> to vector<2048xf32>
    %broadcast_in_dim3A = vector.shape_cast %reduce_max3A_6 : vector<2048xf32> to vector<2048x1xf32>
    %iota3A = tpu.iota {dimensions = array<i32: 1>} : vector<2048x16xi32>
    %eq3A = vector.broadcast %broadcast_in_dim3A : vector<2048x1xf32> to vector<2048x16xf32>
    %eq3A_7 = arith.cmpf oeq, %dot_general3A_5, %eq3A : vector<2048x16xf32>
    %jit3A = arith.constant 16 : i32
    %broadcast_in_dim3A_8 = vector.broadcast %jit3A : i32 to vector<2048x16xi32>
    %select_n3A = arith.select %eq3A_7, %iota3A, %broadcast_in_dim3A_8 : vector<2048x16xi1>, vector<2048x16xi32>
    %reduce_min3A = arith.constant dense<2147483647> : vector<2048xi32>
    %reduce_min3A_9 = vector.multi_reduction <minsi>, %select_n3A, %reduce_min3A [1] : vector<2048x16xi32> to vector<2048xi32>
    %broadcast_in_dim3A_10 = vector.shape_cast %reduce_min3A_9 : vector<2048xi32> to vector<2048x1xi32>
    %eq3A_11 = vector.broadcast %broadcast_in_dim3A_10 : vector<2048x1xi32> to vector<2048x16xi32>
    %eq3A_12 = arith.cmpi eq, %iota3A, %eq3A_11 : vector<2048x16xi32>
    %convert_element_type3A = arith.extui %eq3A_12 : vector<2048x16xi1> to vector<2048x16xi32>
    %convert_element_type3A_13 = arith.sitofp %convert_element_type3A : vector<2048x16xi32> to vector<2048x16xf32>
    %reduce_sum3A = arith.constant dense<0.000000e+00> : vector<16xf32>
    %reduce_sum3A_14 = vector.multi_reduction <add>, %convert_element_type3A_13, %reduce_sum3A [0] : vector<2048x16xf32> to vector<16xf32>
    %broadcast_in_dim3A_15 = vector.shape_cast %reduce_sum3A_14 : vector<16xf32> to vector<1x16xf32>
    %mul3A = arith.constant 3.906250e-03 : f32
    %mul3A_16 = vector.broadcast %mul3A : f32 to vector<1x16xf32>
    %mul3A_17 = arith.mulf %broadcast_in_dim3A_15, %mul3A_16 : vector<1x16xf32>
    %ceil3A = math.ceil %mul3A_17 : vector<1x16xf32>
    %iota3A_18 = tpu.iota {dimensions = array<i32: 0>} : vector<16x16xi32>
    %iota3A_19 = tpu.iota {dimensions = array<i32: 1>} : vector<16x16xi32>
    %lt3A = arith.cmpi slt, %iota3A_18, %iota3A_19 : vector<16x16xi32>
    %convert_element_type3A_20 = arith.extui %lt3A : vector<16x16xi1> to vector<16x16xi32>
    %convert_element_type3A_21 = arith.sitofp %convert_element_type3A_20 : vector<16x16xi32> to vector<16x16xf32>
    %dot_general3A_22 = arith.constant dense<0.000000e+00> : vector<1x16xf32>
    %dot_general3A_23 = tpu.matmul %ceil3A, %convert_element_type3A_21, %dot_general3A_22 {dimension_numbers = #tpu.dot_dimension_numbers<[1], [0], [0], [1], [0, 0, 1, 1], [], []>, transpose_lhs_hint = false} : vector<1x16xf32>, vector<16x16xf32>, vector<1x16xf32> -> vector<1x16xf32>
    %mul3A_24 = arith.constant 2.560000e+02 : f32
    %mul3A_25 = vector.broadcast %mul3A_24 : f32 to vector<1x16xf32>
    %mul3A_26 = arith.mulf %dot_general3A_23, %mul3A_25 : vector<1x16xf32>
    %add3A = arith.addf %dot_general3A_23, %ceil3A : vector<1x16xf32>
    %reduce_sum3A_27 = vector.shape_cast %ceil3A : vector<1x16xf32> to vector<1x1x16xf32>
    %reduce_sum3A_28 = arith.constant dense<0.000000e+00> : vector<1xf32>
    %reduce_sum3A_29 = vector.multi_reduction <add>, %reduce_sum3A_27, %reduce_sum3A_28 [1, 2] : vector<1x1x16xf32> to vector<1xf32>
    %reduce_sum3A_30 = vector.shape_cast %reduce_sum3A_29 : vector<1xf32> to vector<1x1x1xf32>
    %reduce_sum3A_31 = vector.extract %reduce_sum3A_30[0, 0, 0] : f32 from vector<1x1x1xf32>
    %broadcast_in_dim3A_32 = vector.broadcast %reduce_sum3A_31 : f32 to vector<1x1xf32>
    %iota3A_33 = tpu.iota {dimensions = array<i32: 0>} : vector<24x1xi32>
    %convert_element_type3A_34 = arith.sitofp %iota3A_33 : vector<24x1xi32> to vector<24x1xf32>
    %sub3A = arith.constant 1.000000e+00 : f32
    %sub3A_35 = vector.broadcast %sub3A : f32 to vector<1x1xf32>
    %sub3A_36 = arith.subf %broadcast_in_dim3A_32, %sub3A_35 : vector<1x1xf32>
    %min3A = vector.broadcast %sub3A_36 : vector<1x1xf32> to vector<24x1xf32>
    %min3A_37 = arith.minimumf %convert_element_type3A_34, %min3A : vector<24x1xf32>
    %ge3A = vector.broadcast %min3A_37 : vector<24x1xf32> to vector<24x16xf32>
    %ge3A_38 = vector.broadcast %add3A : vector<1x16xf32> to vector<24x16xf32>
    %ge3A_39 = arith.cmpf oge, %ge3A, %ge3A_38 : vector<24x16xf32>
    %convert_element_type3A_40 = arith.extui %ge3A_39 : vector<24x16xi1> to vector<24x16xi32>
    %convert_element_type3A_41 = arith.sitofp %convert_element_type3A_40 : vector<24x16xi32> to vector<24x16xf32>
    %reduce_sum3A_42 = arith.constant dense<0.000000e+00> : vector<24xf32>
    %reduce_sum3A_43 = vector.multi_reduction <add>, %convert_element_type3A_41, %reduce_sum3A_42 [1] : vector<24x16xf32> to vector<24xf32>
    %broadcast_in_dim3A_44 = vector.shape_cast %reduce_sum3A_43 : vector<24xf32> to vector<24x1xf32>
    %min3A_45 = arith.constant 1.500000e+01 : f32
    %min3A_46 = vector.broadcast %min3A_45 : f32 to vector<24x1xf32>
    %min3A_47 = arith.minimumf %broadcast_in_dim3A_44, %min3A_46 : vector<24x1xf32>
    %convert_element_type3A_48 = arith.fptosi %min3A_47 : vector<24x1xf32> to vector<24x1xi32>
    %swap3A = arith.constant 0 : index
    %swap3A_49 = arith.constant 0 : index
    %swap3A_50 = vector.load %arg3[%swap3A, %swap3A_49] : memref<24x1xi32, #tpu.memory_space<vmem>>, vector<24x1xi32>
    tpu.vector_store %arg3[%swap3A, %swap3A_49], %convert_element_type3A_48 {strides = array<i32>} : memref<24x1xi32, #tpu.memory_space<vmem>>, vector<24x1xi32>,
    %convert_element_type3A_51 = arith.fptosi %min3A_37 : vector<24x1xf32> to vector<24x1xi32>
    %swap3A_52 = arith.constant 0 : index
    %swap3A_53 = arith.constant 0 : index
    %swap3A_54 = vector.load %arg4[%swap3A_52, %swap3A_53] : memref<24x1xi32, #tpu.memory_space<vmem>>, vector<24x1xi32>
    tpu.vector_store %arg4[%swap3A_52, %swap3A_53], %convert_element_type3A_51 {strides = array<i32>} : memref<24x1xi32, #tpu.memory_space<vmem>>, vector<24x1xi32>,
    %lt3A_55 = vector.broadcast %broadcast_in_dim3A_32 : vector<1x1xf32> to vector<24x1xf32>
    %lt3A_56 = arith.cmpf olt, %convert_element_type3A_34, %lt3A_55 : vector<24x1xf32>
    %convert_element_type3A_57 = arith.extui %lt3A_56 : vector<24x1xi1> to vector<24x1xi32>
    %swap3A_58 = arith.constant 0 : index
    %swap3A_59 = arith.constant 0 : index
    %swap3A_60 = vector.load %arg5[%swap3A_58, %swap3A_59] : memref<24x1xi32, #tpu.memory_space<vmem>>, vector<24x1xi32>
    tpu.vector_store %arg5[%swap3A_58, %swap3A_59], %convert_element_type3A_57 {strides = array<i32>} : memref<24x1xi32, #tpu.memory_space<vmem>>, vector<24x1xi32>,
    %iota3A_61 = tpu.iota {dimensions = array<i32: 0>} : vector<128x128xi32>
    %iota3A_62 = tpu.iota {dimensions = array<i32: 1>} : vector<128x128xi32>
    %lt3A_63 = arith.cmpi slt, %iota3A_62, %iota3A_61 : vector<128x128xi32>
    %convert_element_type3A_64 = arith.extui %lt3A_63 : vector<128x128xi1> to vector<128x128xi32>
    %convert_element_type3A_65 = arith.sitofp %convert_element_type3A_64 : vector<128x128xi32> to vector<128x128xf32>
    %slice3A = vector.extract_strided_slice %convert_element_type3A_13 {offsets = [0, 0], sizes = [128, 16], strides = [1, 1]} : vector<2048x16xf32> to vector<128x16xf32>
    %dot_general3A_66 = arith.constant dense<0.000000e+00> : vector<128x16xf32>
    %dot_general3A_67 = tpu.matmul %convert_element_type3A_65, %slice3A, %dot_general3A_66 {dimension_numbers = #tpu.dot_dimension_numbers<[1], [0], [0], [1], [0, 0, 1, 1], [], []>, transpose_lhs_hint = false} : vector<128x128xf32>, vector<128x16xf32>, vector<128x16xf32> -> vector<128x16xf32>
    %add3A_68 = vector.broadcast %mul3A_26 : vector<1x16xf32> to vector<128x16xf32>
    %add3A_69 = arith.addf %dot_general3A_67, %add3A_68 : vector<128x16xf32>
    %mul3A_70 = arith.mulf %add3A_69, %slice3A : vector<128x16xf32>
    %reduce_sum3A_71 = arith.constant dense<0.000000e+00> : vector<128xf32>
    %reduce_sum3A_72 = vector.multi_reduction <add>, %mul3A_70, %reduce_sum3A_71 [1] : vector<128x16xf32> to vector<128xf32>
    %broadcast_in_dim3A_73 = vector.shape_cast %reduce_sum3A_72 : vector<128xf32> to vector<128x1xf32>
    %convert_element_type3A_74 = arith.fptosi %broadcast_in_dim3A_73 : vector<128x1xf32> to vector<128x1xi32>
    %swap3A_75 = arith.constant 0 : index
    %swap3A_76 = arith.constant 0 : index
    %swap3A_77 = vector.load %arg2[%swap3A_75, %swap3A_76] : memref<2048x1xi32, #tpu.memory_space<vmem>>, vector<128x1xi32>
    tpu.vector_store %arg2[%swap3A_75, %swap3A_76], %convert_element_type3A_74 {strides = array<i32>} : memref<2048x1xi32, #tpu.memory_space<vmem>>, vector<128x1xi32>,
    %reduce_sum3A_78 = arith.constant dense<0.000000e+00> : vector<16xf32>
    %reduce_sum3A_79 = vector.multi_reduction <add>, %slice3A, %reduce_sum3A_78 [0] : vector<128x16xf32> to vector<16xf32>
    %broadcast_in_dim3A_80 = vector.shape_cast %reduce_sum3A_79 : vector<16xf32> to vector<1x16xf32>
    %add3A_81 = arith.addf %mul3A_26, %broadcast_in_dim3A_80 : vector<1x16xf32>
    %slice3A_82 = vector.extract_strided_slice %convert_element_type3A_13 {offsets = [128, 0], sizes = [128, 16], strides = [1, 1]} : vector<2048x16xf32> to vector<128x16xf32>
    %dot_general3A_83 = arith.constant dense<0.000000e+00> : vector<128x16xf32>
    %dot_general3A_84 = tpu.matmul %convert_element_type3A_65, %slice3A_82, %dot_general3A_83 {dimension_numbers = #tpu.dot_dimension_numbers<[1], [0], [0], [1], [0, 0, 1, 1], [], []>, transpose_lhs_hint = false} : vector<128x128xf32>, vector<128x16xf32>, vector<128x16xf32> -> vector<128x16xf32>
    %add3A_85 = vector.broadcast %add3A_81 : vector<1x16xf32> to vector<128x16xf32>
    %add3A_86 = arith.addf %dot_general3A_84, %add3A_85 : vector<128x16xf32>
    %mul3A_87 = arith.mulf %add3A_86, %slice3A_82 : vector<128x16xf32>
    %reduce_sum3A_88 = arith.constant dense<0.000000e+00> : vector<128xf32>
    %reduce_sum3A_89 = vector.multi_reduction <add>, %mul3A_87, %reduce_sum3A_88 [1] : vector<128x16xf32> to vector<128xf32>
    %broadcast_in_dim3A_90 = vector.shape_cast %reduce_sum3A_89 : vector<128xf32> to vector<128x1xf32>
    %convert_element_type3A_91 = arith.fptosi %broadcast_in_dim3A_90 : vector<128x1xf32> to vector<128x1xi32>
    %swap3A_92 = arith.constant 128 : index
    %swap3A_93 = arith.constant 0 : index
    %swap3A_94 = vector.load %arg2[%swap3A_92, %swap3A_93] : memref<2048x1xi32, #tpu.memory_space<vmem>>, vector<128x1xi32>
    tpu.vector_store %arg2[%swap3A_92, %swap3A_93], %convert_element_type3A_91 {strides = array<i32>} : memref<2048x1xi32, #tpu.memory_space<vmem>>, vector<128x1xi32>,
    %reduce_sum3A_95 = arith.constant dense<0.000000e+00> : vector<16xf32>
    %reduce_sum3A_96 = vector.multi_reduction <add>, %slice3A_82, %reduce_sum3A_95 [0] : vector<128x16xf32> to vector<16xf32>
    %broadcast_in_dim3A_97 = vector.shape_cast %reduce_sum3A_96 : vector<16xf32> to vector<1x16xf32>
    %add3A_98 = arith.addf %add3A_81, %broadcast_in_dim3A_97 : vector<1x16xf32>
    %slice3A_99 = vector.extract_strided_slice %convert_element_type3A_13 {offsets = [256, 0], sizes = [128, 16], strides = [1, 1]} : vector<2048x16xf32> to vector<128x16xf32>
    %dot_general3A_100 = arith.constant dense<0.000000e+00> : vector<128x16xf32>
    %dot_general3A_101 = tpu.matmul %convert_element_type3A_65, %slice3A_99, %dot_general3A_100 {dimension_numbers = #tpu.dot_dimension_numbers<[1], [0], [0], [1], [0, 0, 1, 1], [], []>, transpose_lhs_hint = false} : vector<128x128xf32>, vector<128x16xf32>, vector<128x16xf32> -> vector<128x16xf32>
    %add3A_102 = vector.broadcast %add3A_98 : vector<1x16xf32> to vector<128x16xf32>
    %add3A_103 = arith.addf %dot_general3A_101, %add3A_102 : vector<128x16xf32>
    %mul3A_104 = arith.mulf %add3A_103, %slice3A_99 : vector<128x16xf32>
    %reduce_sum3A_105 = arith.constant dense<0.000000e+00> : vector<128xf32>
    %reduce_sum3A_106 = vector.multi_reduction <add>, %mul3A_104, %reduce_sum3A_105 [1] : vector<128x16xf32> to vector<128xf32>
    %broadcast_in_dim3A_107 = vector.shape_cast %reduce_sum3A_106 : vector<128xf32> to vector<128x1xf32>
    %convert_element_type3A_108 = arith.fptosi %broadcast_in_dim3A_107 : vector<128x1xf32> to vector<128x1xi32>
    %swap3A_109 = arith.constant 256 : index
    %swap3A_110 = arith.constant 0 : index
    %swap3A_111 = vector.load %arg2[%swap3A_109, %swap3A_110] : memref<2048x1xi32, #tpu.memory_space<vmem>>, vector<128x1xi32>
    tpu.vector_store %arg2[%swap3A_109, %swap3A_110], %convert_element_type3A_108 {strides = array<i32>} : memref<2048x1xi32, #tpu.memory_space<vmem>>, vector<128x1xi32>,
    %reduce_sum3A_112 = arith.constant dense<0.000000e+00> : vector<16xf32>
    %reduce_sum3A_113 = vector.multi_reduction <add>, %slice3A_99, %reduce_sum3A_112 [0] : vector<128x16xf32> to vector<16xf32>
    %broadcast_in_dim3A_114 = vector.shape_cast %reduce_sum3A_113 : vector<16xf32> to vector<1x16xf32>
    %add3A_115 = arith.addf %add3A_98, %broadcast_in_dim3A_114 : vector<1x16xf32>
    %slice3A_116 = vector.extract_strided_slice %convert_element_type3A_13 {offsets = [384, 0], sizes = [128, 16], strides = [1, 1]} : vector<2048x16xf32> to vector<128x16xf32>
    %dot_general3A_117 = arith.constant dense<0.000000e+00> : vector<128x16xf32>
    %dot_general3A_118 = tpu.matmul %convert_element_type3A_65, %slice3A_116, %dot_general3A_117 {dimension_numbers = #tpu.dot_dimension_numbers<[1], [0], [0], [1], [0, 0, 1, 1], [], []>, transpose_lhs_hint = false} : vector<128x128xf32>, vector<128x16xf32>, vector<128x16xf32> -> vector<128x16xf32>
    %add3A_119 = vector.broadcast %add3A_115 : vector<1x16xf32> to vector<128x16xf32>
    %add3A_120 = arith.addf %dot_general3A_118, %add3A_119 : vector<128x16xf32>
    %mul3A_121 = arith.mulf %add3A_120, %slice3A_116 : vector<128x16xf32>
    %reduce_sum3A_122 = arith.constant dense<0.000000e+00> : vector<128xf32>
    %reduce_sum3A_123 = vector.multi_reduction <add>, %mul3A_121, %reduce_sum3A_122 [1] : vector<128x16xf32> to vector<128xf32>
    %broadcast_in_dim3A_124 = vector.shape_cast %reduce_sum3A_123 : vector<128xf32> to vector<128x1xf32>
    %convert_element_type3A_125 = arith.fptosi %broadcast_in_dim3A_124 : vector<128x1xf32> to vector<128x1xi32>
    %swap3A_126 = arith.constant 384 : index
    %swap3A_127 = arith.constant 0 : index
    %swap3A_128 = vector.load %arg2[%swap3A_126, %swap3A_127] : memref<2048x1xi32, #tpu.memory_space<vmem>>, vector<128x1xi32>
    tpu.vector_store %arg2[%swap3A_126, %swap3A_127], %convert_element_type3A_125 {strides = array<i32>} : memref<2048x1xi32, #tpu.memory_space<vmem>>, vector<128x1xi32>,
    %reduce_sum3A_129 = arith.constant dense<0.000000e+00> : vector<16xf32>
    %reduce_sum3A_130 = vector.multi_reduction <add>, %slice3A_116, %reduce_sum3A_129 [0] : vector<128x16xf32> to vector<16xf32>
    %broadcast_in_dim3A_131 = vector.shape_cast %reduce_sum3A_130 : vector<16xf32> to vector<1x16xf32>
    %add3A_132 = arith.addf %add3A_115, %broadcast_in_dim3A_131 : vector<1x16xf32>
    %slice3A_133 = vector.extract_strided_slice %convert_element_type3A_13 {offsets = [512, 0], sizes = [128, 16], strides = [1, 1]} : vector<2048x16xf32> to vector<128x16xf32>
    %dot_general3A_134 = arith.constant dense<0.000000e+00> : vector<128x16xf32>
    %dot_general3A_135 = tpu.matmul %convert_element_type3A_65, %slice3A_133, %dot_general3A_134 {dimension_numbers = #tpu.dot_dimension_numbers<[1], [0], [0], [1], [0, 0, 1, 1], [], []>, transpose_lhs_hint = false} : vector<128x128xf32>, vector<128x16xf32>, vector<128x16xf32> -> vector<128x16xf32>
    %add3A_136 = vector.broadcast %add3A_132 : vector<1x16xf32> to vector<128x16xf32>
    %add3A_137 = arith.addf %dot_general3A_135, %add3A_136 : vector<128x16xf32>
    %mul3A_138 = arith.mulf %add3A_137, %slice3A_133 : vector<128x16xf32>
    %reduce_sum3A_139 = arith.constant dense<0.000000e+00> : vector<128xf32>
    %reduce_sum3A_140 = vector.multi_reduction <add>, %mul3A_138, %reduce_sum3A_139 [1] : vector<128x16xf32> to vector<128xf32>
    %broadcast_in_dim3A_141 = vector.shape_cast %reduce_sum3A_140 : vector<128xf32> to vector<128x1xf32>
    %convert_element_type3A_142 = arith.fptosi %broadcast_in_dim3A_141 : vector<128x1xf32> to vector<128x1xi32>
    %swap3A_143 = arith.constant 512 : index
    %swap3A_144 = arith.constant 0 : index
    %swap3A_145 = vector.load %arg2[%swap3A_143, %swap3A_144] : memref<2048x1xi32, #tpu.memory_space<vmem>>, vector<128x1xi32>
    tpu.vector_store %arg2[%swap3A_143, %swap3A_144], %convert_element_type3A_142 {strides = array<i32>} : memref<2048x1xi32, #tpu.memory_space<vmem>>, vector<128x1xi32>,
    %reduce_sum3A_146 = arith.constant dense<0.000000e+00> : vector<16xf32>
    %reduce_sum3A_147 = vector.multi_reduction <add>, %slice3A_133, %reduce_sum3A_146 [0] : vector<128x16xf32> to vector<16xf32>
    %broadcast_in_dim3A_148 = vector.shape_cast %reduce_sum3A_147 : vector<16xf32> to vector<1x16xf32>
    %add3A_149 = arith.addf %add3A_132, %broadcast_in_dim3A_148 : vector<1x16xf32>
    %slice3A_150 = vector.extract_strided_slice %convert_element_type3A_13 {offsets = [640, 0], sizes = [128, 16], strides = [1, 1]} : vector<2048x16xf32> to vector<128x16xf32>
    %dot_general3A_151 = arith.constant dense<0.000000e+00> : vector<128x16xf32>
    %dot_general3A_152 = tpu.matmul %convert_element_type3A_65, %slice3A_150, %dot_general3A_151 {dimension_numbers = #tpu.dot_dimension_numbers<[1], [0], [0], [1], [0, 0, 1, 1], [], []>, transpose_lhs_hint = false} : vector<128x128xf32>, vector<128x16xf32>, vector<128x16xf32> -> vector<128x16xf32>
    %add3A_153 = vector.broadcast %add3A_149 : vector<1x16xf32> to vector<128x16xf32>
    %add3A_154 = arith.addf %dot_general3A_152, %add3A_153 : vector<128x16xf32>
    %mul3A_155 = arith.mulf %add3A_154, %slice3A_150 : vector<128x16xf32>
    %reduce_sum3A_156 = arith.constant dense<0.000000e+00> : vector<128xf32>
    %reduce_sum3A_157 = vector.multi_reduction <add>, %mul3A_155, %reduce_sum3A_156 [1] : vector<128x16xf32> to vector<128xf32>
    %broadcast_in_dim3A_158 = vector.shape_cast %reduce_sum3A_157 : vector<128xf32> to vector<128x1xf32>
    %convert_element_type3A_159 = arith.fptosi %broadcast_in_dim3A_158 : vector<128x1xf32> to vector<128x1xi32>
    %swap3A_160 = arith.constant 640 : index
    %swap3A_161 = arith.constant 0 : index
    %swap3A_162 = vector.load %arg2[%swap3A_160, %swap3A_161] : memref<2048x1xi32, #tpu.memory_space<vmem>>, vector<128x1xi32>
    tpu.vector_store %arg2[%swap3A_160, %swap3A_161], %convert_element_type3A_159 {strides = array<i32>} : memref<2048x1xi32, #tpu.memory_space<vmem>>, vector<128x1xi32>,
    %reduce_sum3A_163 = arith.constant dense<0.000000e+00> : vector<16xf32>
    %reduce_sum3A_164 = vector.multi_reduction <add>, %slice3A_150, %reduce_sum3A_163 [0] : vector<128x16xf32> to vector<16xf32>
    %broadcast_in_dim3A_165 = vector.shape_cast %reduce_sum3A_164 : vector<16xf32> to vector<1x16xf32>
    %add3A_166 = arith.addf %add3A_149, %broadcast_in_dim3A_165 : vector<1x16xf32>
    %slice3A_167 = vector.extract_strided_slice %convert_element_type3A_13 {offsets = [768, 0], sizes = [128, 16], strides = [1, 1]} : vector<2048x16xf32> to vector<128x16xf32>
    %dot_general3A_168 = arith.constant dense<0.000000e+00> : vector<128x16xf32>
    %dot_general3A_169 = tpu.matmul %convert_element_type3A_65, %slice3A_167, %dot_general3A_168 {dimension_numbers = #tpu.dot_dimension_numbers<[1], [0], [0], [1], [0, 0, 1, 1], [], []>, transpose_lhs_hint = false} : vector<128x128xf32>, vector<128x16xf32>, vector<128x16xf32> -> vector<128x16xf32>
    %add3A_170 = vector.broadcast %add3A_166 : vector<1x16xf32> to vector<128x16xf32>
    %add3A_171 = arith.addf %dot_general3A_169, %add3A_170 : vector<128x16xf32>
    %mul3A_172 = arith.mulf %add3A_171, %slice3A_167 : vector<128x16xf32>
    %reduce_sum3A_173 = arith.constant dense<0.000000e+00> : vector<128xf32>
    %reduce_sum3A_174 = vector.multi_reduction <add>, %mul3A_172, %reduce_sum3A_173 [1] : vector<128x16xf32> to vector<128xf32>
    %broadcast_in_dim3A_175 = vector.shape_cast %reduce_sum3A_174 : vector<128xf32> to vector<128x1xf32>
    %convert_element_type3A_176 = arith.fptosi %broadcast_in_dim3A_175 : vector<128x1xf32> to vector<128x1xi32>
    %swap3A_177 = arith.constant 768 : index
    %swap3A_178 = arith.constant 0 : index
    %swap3A_179 = vector.load %arg2[%swap3A_177, %swap3A_178] : memref<2048x1xi32, #tpu.memory_space<vmem>>, vector<128x1xi32>
    tpu.vector_store %arg2[%swap3A_177, %swap3A_178], %convert_element_type3A_176 {strides = array<i32>} : memref<2048x1xi32, #tpu.memory_space<vmem>>, vector<128x1xi32>,
    %reduce_sum3A_180 = arith.constant dense<0.000000e+00> : vector<16xf32>
    %reduce_sum3A_181 = vector.multi_reduction <add>, %slice3A_167, %reduce_sum3A_180 [0] : vector<128x16xf32> to vector<16xf32>
    %broadcast_in_dim3A_182 = vector.shape_cast %reduce_sum3A_181 : vector<16xf32> to vector<1x16xf32>
    %add3A_183 = arith.addf %add3A_166, %broadcast_in_dim3A_182 : vector<1x16xf32>
    %slice3A_184 = vector.extract_strided_slice %convert_element_type3A_13 {offsets = [896, 0], sizes = [128, 16], strides = [1, 1]} : vector<2048x16xf32> to vector<128x16xf32>
    %dot_general3A_185 = arith.constant dense<0.000000e+00> : vector<128x16xf32>
    %dot_general3A_186 = tpu.matmul %convert_element_type3A_65, %slice3A_184, %dot_general3A_185 {dimension_numbers = #tpu.dot_dimension_numbers<[1], [0], [0], [1], [0, 0, 1, 1], [], []>, transpose_lhs_hint = false} : vector<128x128xf32>, vector<128x16xf32>, vector<128x16xf32> -> vector<128x16xf32>
    %add3A_187 = vector.broadcast %add3A_183 : vector<1x16xf32> to vector<128x16xf32>
    %add3A_188 = arith.addf %dot_general3A_186, %add3A_187 : vector<128x16xf32>
    %mul3A_189 = arith.mulf %add3A_188, %slice3A_184 : vector<128x16xf32>
    %reduce_sum3A_190 = arith.constant dense<0.000000e+00> : vector<128xf32>
    %reduce_sum3A_191 = vector.multi_reduction <add>, %mul3A_189, %reduce_sum3A_190 [1] : vector<128x16xf32> to vector<128xf32>
    %broadcast_in_dim3A_192 = vector.shape_cast %reduce_sum3A_191 : vector<128xf32> to vector<128x1xf32>
    %convert_element_type3A_193 = arith.fptosi %broadcast_in_dim3A_192 : vector<128x1xf32> to vector<128x1xi32>
    %swap3A_194 = arith.constant 896 : index
    %swap3A_195 = arith.constant 0 : index
    %swap3A_196 = vector.load %arg2[%swap3A_194, %swap3A_195] : memref<2048x1xi32, #tpu.memory_space<vmem>>, vector<128x1xi32>
    tpu.vector_store %arg2[%swap3A_194, %swap3A_195], %convert_element_type3A_193 {strides = array<i32>} : memref<2048x1xi32, #tpu.memory_space<vmem>>, vector<128x1xi32>,
    %reduce_sum3A_197 = arith.constant dense<0.000000e+00> : vector<16xf32>
    %reduce_sum3A_198 = vector.multi_reduction <add>, %slice3A_184, %reduce_sum3A_197 [0] : vector<128x16xf32> to vector<16xf32>
    %broadcast_in_dim3A_199 = vector.shape_cast %reduce_sum3A_198 : vector<16xf32> to vector<1x16xf32>
    %add3A_200 = arith.addf %add3A_183, %broadcast_in_dim3A_199 : vector<1x16xf32>
    %slice3A_201 = vector.extract_strided_slice %convert_element_type3A_13 {offsets = [1024, 0], sizes = [128, 16], strides = [1, 1]} : vector<2048x16xf32> to vector<128x16xf32>
    %dot_general3A_202 = arith.constant dense<0.000000e+00> : vector<128x16xf32>
    %dot_general3A_203 = tpu.matmul %convert_element_type3A_65, %slice3A_201, %dot_general3A_202 {dimension_numbers = #tpu.dot_dimension_numbers<[1], [0], [0], [1], [0, 0, 1, 1], [], []>, transpose_lhs_hint = false} : vector<128x128xf32>, vector<128x16xf32>, vector<128x16xf32> -> vector<128x16xf32>
    %add3A_204 = vector.broadcast %add3A_200 : vector<1x16xf32> to vector<128x16xf32>
    %add3A_205 = arith.addf %dot_general3A_203, %add3A_204 : vector<128x16xf32>
    %mul3A_206 = arith.mulf %add3A_205, %slice3A_201 : vector<128x16xf32>
    %reduce_sum3A_207 = arith.constant dense<0.000000e+00> : vector<128xf32>
    %reduce_sum3A_208 = vector.multi_reduction <add>, %mul3A_206, %reduce_sum3A_207 [1] : vector<128x16xf32> to vector<128xf32>
    %broadcast_in_dim3A_209 = vector.shape_cast %reduce_sum3A_208 : vector<128xf32> to vector<128x1xf32>
    %convert_element_type3A_210 = arith.fptosi %broadcast_in_dim3A_209 : vector<128x1xf32> to vector<128x1xi32>
    %swap3A_211 = arith.constant 1024 : index
    %swap3A_212 = arith.constant 0 : index
    %swap3A_213 = vector.load %arg2[%swap3A_211, %swap3A_212] : memref<2048x1xi32, #tpu.memory_space<vmem>>, vector<128x1xi32>
    tpu.vector_store %arg2[%swap3A_211, %swap3A_212], %convert_element_type3A_210 {strides = array<i32>} : memref<2048x1xi32, #tpu.memory_space<vmem>>, vector<128x1xi32>,
    %reduce_sum3A_214 = arith.constant dense<0.000000e+00> : vector<16xf32>
    %reduce_sum3A_215 = vector.multi_reduction <add>, %slice3A_201, %reduce_sum3A_214 [0] : vector<128x16xf32> to vector<16xf32>
    %broadcast_in_dim3A_216 = vector.shape_cast %reduce_sum3A_215 : vector<16xf32> to vector<1x16xf32>
    %add3A_217 = arith.addf %add3A_200, %broadcast_in_dim3A_216 : vector<1x16xf32>
    %slice3A_218 = vector.extract_strided_slice %convert_element_type3A_13 {offsets = [1152, 0], sizes = [128, 16], strides = [1, 1]} : vector<2048x16xf32> to vector<128x16xf32>
    %dot_general3A_219 = arith.constant dense<0.000000e+00> : vector<128x16xf32>
    %dot_general3A_220 = tpu.matmul %convert_element_type3A_65, %slice3A_218, %dot_general3A_219 {dimension_numbers = #tpu.dot_dimension_numbers<[1], [0], [0], [1], [0, 0, 1, 1], [], []>, transpose_lhs_hint = false} : vector<128x128xf32>, vector<128x16xf32>, vector<128x16xf32> -> vector<128x16xf32>
    %add3A_221 = vector.broadcast %add3A_217 : vector<1x16xf32> to vector<128x16xf32>
    %add3A_222 = arith.addf %dot_general3A_220, %add3A_221 : vector<128x16xf32>
    %mul3A_223 = arith.mulf %add3A_222, %slice3A_218 : vector<128x16xf32>
    %reduce_sum3A_224 = arith.constant dense<0.000000e+00> : vector<128xf32>
    %reduce_sum3A_225 = vector.multi_reduction <add>, %mul3A_223, %reduce_sum3A_224 [1] : vector<128x16xf32> to vector<128xf32>
    %broadcast_in_dim3A_226 = vector.shape_cast %reduce_sum3A_225 : vector<128xf32> to vector<128x1xf32>
    %convert_element_type3A_227 = arith.fptosi %broadcast_in_dim3A_226 : vector<128x1xf32> to vector<128x1xi32>
    %swap3A_228 = arith.constant 1152 : index
    %swap3A_229 = arith.constant 0 : index
    %swap3A_230 = vector.load %arg2[%swap3A_228, %swap3A_229] : memref<2048x1xi32, #tpu.memory_space<vmem>>, vector<128x1xi32>
    tpu.vector_store %arg2[%swap3A_228, %swap3A_229], %convert_element_type3A_227 {strides = array<i32>} : memref<2048x1xi32, #tpu.memory_space<vmem>>, vector<128x1xi32>,
    %reduce_sum3A_231 = arith.constant dense<0.000000e+00> : vector<16xf32>
    %reduce_sum3A_232 = vector.multi_reduction <add>, %slice3A_218, %reduce_sum3A_231 [0] : vector<128x16xf32> to vector<16xf32>
    %broadcast_in_dim3A_233 = vector.shape_cast %reduce_sum3A_232 : vector<16xf32> to vector<1x16xf32>
    %add3A_234 = arith.addf %add3A_217, %broadcast_in_dim3A_233 : vector<1x16xf32>
    %slice3A_235 = vector.extract_strided_slice %convert_element_type3A_13 {offsets = [1280, 0], sizes = [128, 16], strides = [1, 1]} : vector<2048x16xf32> to vector<128x16xf32>
    %dot_general3A_236 = arith.constant dense<0.000000e+00> : vector<128x16xf32>
    %dot_general3A_237 = tpu.matmul %convert_element_type3A_65, %slice3A_235, %dot_general3A_236 {dimension_numbers = #tpu.dot_dimension_numbers<[1], [0], [0], [1], [0, 0, 1, 1], [], []>, transpose_lhs_hint = false} : vector<128x128xf32>, vector<128x16xf32>, vector<128x16xf32> -> vector<128x16xf32>
    %add3A_238 = vector.broadcast %add3A_234 : vector<1x16xf32> to vector<128x16xf32>
    %add3A_239 = arith.addf %dot_general3A_237, %add3A_238 : vector<128x16xf32>
    %mul3A_240 = arith.mulf %add3A_239, %slice3A_235 : vector<128x16xf32>
    %reduce_sum3A_241 = arith.constant dense<0.000000e+00> : vector<128xf32>
    %reduce_sum3A_242 = vector.multi_reduction <add>, %mul3A_240, %reduce_sum3A_241 [1] : vector<128x16xf32> to vector<128xf32>
    %broadcast_in_dim3A_243 = vector.shape_cast %reduce_sum3A_242 : vector<128xf32> to vector<128x1xf32>
    %convert_element_type3A_244 = arith.fptosi %broadcast_in_dim3A_243 : vector<128x1xf32> to vector<128x1xi32>
    %swap3A_245 = arith.constant 1280 : index
    %swap3A_246 = arith.constant 0 : index
    %swap3A_247 = vector.load %arg2[%swap3A_245, %swap3A_246] : memref<2048x1xi32, #tpu.memory_space<vmem>>, vector<128x1xi32>
    tpu.vector_store %arg2[%swap3A_245, %swap3A_246], %convert_element_type3A_244 {strides = array<i32>} : memref<2048x1xi32, #tpu.memory_space<vmem>>, vector<128x1xi32>,
    %reduce_sum3A_248 = arith.constant dense<0.000000e+00> : vector<16xf32>
    %reduce_sum3A_249 = vector.multi_reduction <add>, %slice3A_235, %reduce_sum3A_248 [0] : vector<128x16xf32> to vector<16xf32>
    %broadcast_in_dim3A_250 = vector.shape_cast %reduce_sum3A_249 : vector<16xf32> to vector<1x16xf32>
    %add3A_251 = arith.addf %add3A_234, %broadcast_in_dim3A_250 : vector<1x16xf32>
    %slice3A_252 = vector.extract_strided_slice %convert_element_type3A_13 {offsets = [1408, 0], sizes = [128, 16], strides = [1, 1]} : vector<2048x16xf32> to vector<128x16xf32>
    %dot_general3A_253 = arith.constant dense<0.000000e+00> : vector<128x16xf32>
    %dot_general3A_254 = tpu.matmul %convert_element_type3A_65, %slice3A_252, %dot_general3A_253 {dimension_numbers = #tpu.dot_dimension_numbers<[1], [0], [0], [1], [0, 0, 1, 1], [], []>, transpose_lhs_hint = false} : vector<128x128xf32>, vector<128x16xf32>, vector<128x16xf32> -> vector<128x16xf32>
    %add3A_255 = vector.broadcast %add3A_251 : vector<1x16xf32> to vector<128x16xf32>
    %add3A_256 = arith.addf %dot_general3A_254, %add3A_255 : vector<128x16xf32>
    %mul3A_257 = arith.mulf %add3A_256, %slice3A_252 : vector<128x16xf32>
    %reduce_sum3A_258 = arith.constant dense<0.000000e+00> : vector<128xf32>
    %reduce_sum3A_259 = vector.multi_reduction <add>, %mul3A_257, %reduce_sum3A_258 [1] : vector<128x16xf32> to vector<128xf32>
    %broadcast_in_dim3A_260 = vector.shape_cast %reduce_sum3A_259 : vector<128xf32> to vector<128x1xf32>
    %convert_element_type3A_261 = arith.fptosi %broadcast_in_dim3A_260 : vector<128x1xf32> to vector<128x1xi32>
    %swap3A_262 = arith.constant 1408 : index
    %swap3A_263 = arith.constant 0 : index
    %swap3A_264 = vector.load %arg2[%swap3A_262, %swap3A_263] : memref<2048x1xi32, #tpu.memory_space<vmem>>, vector<128x1xi32>
    tpu.vector_store %arg2[%swap3A_262, %swap3A_263], %convert_element_type3A_261 {strides = array<i32>} : memref<2048x1xi32, #tpu.memory_space<vmem>>, vector<128x1xi32>,
    %reduce_sum3A_265 = arith.constant dense<0.000000e+00> : vector<16xf32>
    %reduce_sum3A_266 = vector.multi_reduction <add>, %slice3A_252, %reduce_sum3A_265 [0] : vector<128x16xf32> to vector<16xf32>
    %broadcast_in_dim3A_267 = vector.shape_cast %reduce_sum3A_266 : vector<16xf32> to vector<1x16xf32>
    %add3A_268 = arith.addf %add3A_251, %broadcast_in_dim3A_267 : vector<1x16xf32>
    %slice3A_269 = vector.extract_strided_slice %convert_element_type3A_13 {offsets = [1536, 0], sizes = [128, 16], strides = [1, 1]} : vector<2048x16xf32> to vector<128x16xf32>
    %dot_general3A_270 = arith.constant dense<0.000000e+00> : vector<128x16xf32>
    %dot_general3A_271 = tpu.matmul %convert_element_type3A_65, %slice3A_269, %dot_general3A_270 {dimension_numbers = #tpu.dot_dimension_numbers<[1], [0], [0], [1], [0, 0, 1, 1], [], []>, transpose_lhs_hint = false} : vector<128x128xf32>, vector<128x16xf32>, vector<128x16xf32> -> vector<128x16xf32>
    %add3A_272 = vector.broadcast %add3A_268 : vector<1x16xf32> to vector<128x16xf32>
    %add3A_273 = arith.addf %dot_general3A_271, %add3A_272 : vector<128x16xf32>
    %mul3A_274 = arith.mulf %add3A_273, %slice3A_269 : vector<128x16xf32>
    %reduce_sum3A_275 = arith.constant dense<0.000000e+00> : vector<128xf32>
    %reduce_sum3A_276 = vector.multi_reduction <add>, %mul3A_274, %reduce_sum3A_275 [1] : vector<128x16xf32> to vector<128xf32>
    %broadcast_in_dim3A_277 = vector.shape_cast %reduce_sum3A_276 : vector<128xf32> to vector<128x1xf32>
    %convert_element_type3A_278 = arith.fptosi %broadcast_in_dim3A_277 : vector<128x1xf32> to vector<128x1xi32>
    %swap3A_279 = arith.constant 1536 : index
    %swap3A_280 = arith.constant 0 : index
    %swap3A_281 = vector.load %arg2[%swap3A_279, %swap3A_280] : memref<2048x1xi32, #tpu.memory_space<vmem>>, vector<128x1xi32>
    tpu.vector_store %arg2[%swap3A_279, %swap3A_280], %convert_element_type3A_278 {strides = array<i32>} : memref<2048x1xi32, #tpu.memory_space<vmem>>, vector<128x1xi32>,
    %reduce_sum3A_282 = arith.constant dense<0.000000e+00> : vector<16xf32>
    %reduce_sum3A_283 = vector.multi_reduction <add>, %slice3A_269, %reduce_sum3A_282 [0] : vector<128x16xf32> to vector<16xf32>
    %broadcast_in_dim3A_284 = vector.shape_cast %reduce_sum3A_283 : vector<16xf32> to vector<1x16xf32>
    %add3A_285 = arith.addf %add3A_268, %broadcast_in_dim3A_284 : vector<1x16xf32>
    %slice3A_286 = vector.extract_strided_slice %convert_element_type3A_13 {offsets = [1664, 0], sizes = [128, 16], strides = [1, 1]} : vector<2048x16xf32> to vector<128x16xf32>
    %dot_general3A_287 = arith.constant dense<0.000000e+00> : vector<128x16xf32>
    %dot_general3A_288 = tpu.matmul %convert_element_type3A_65, %slice3A_286, %dot_general3A_287 {dimension_numbers = #tpu.dot_dimension_numbers<[1], [0], [0], [1], [0, 0, 1, 1], [], []>, transpose_lhs_hint = false} : vector<128x128xf32>, vector<128x16xf32>, vector<128x16xf32> -> vector<128x16xf32>
    %add3A_289 = vector.broadcast %add3A_285 : vector<1x16xf32> to vector<128x16xf32>
    %add3A_290 = arith.addf %dot_general3A_288, %add3A_289 : vector<128x16xf32>
    %mul3A_291 = arith.mulf %add3A_290, %slice3A_286 : vector<128x16xf32>
    %reduce_sum3A_292 = arith.constant dense<0.000000e+00> : vector<128xf32>
    %reduce_sum3A_293 = vector.multi_reduction <add>, %mul3A_291, %reduce_sum3A_292 [1] : vector<128x16xf32> to vector<128xf32>
    %broadcast_in_dim3A_294 = vector.shape_cast %reduce_sum3A_293 : vector<128xf32> to vector<128x1xf32>
    %convert_element_type3A_295 = arith.fptosi %broadcast_in_dim3A_294 : vector<128x1xf32> to vector<128x1xi32>
    %swap3A_296 = arith.constant 1664 : index
    %swap3A_297 = arith.constant 0 : index
    %swap3A_298 = vector.load %arg2[%swap3A_296, %swap3A_297] : memref<2048x1xi32, #tpu.memory_space<vmem>>, vector<128x1xi32>
    tpu.vector_store %arg2[%swap3A_296, %swap3A_297], %convert_element_type3A_295 {strides = array<i32>} : memref<2048x1xi32, #tpu.memory_space<vmem>>, vector<128x1xi32>,
    %reduce_sum3A_299 = arith.constant dense<0.000000e+00> : vector<16xf32>
    %reduce_sum3A_300 = vector.multi_reduction <add>, %slice3A_286, %reduce_sum3A_299 [0] : vector<128x16xf32> to vector<16xf32>
    %broadcast_in_dim3A_301 = vector.shape_cast %reduce_sum3A_300 : vector<16xf32> to vector<1x16xf32>
    %add3A_302 = arith.addf %add3A_285, %broadcast_in_dim3A_301 : vector<1x16xf32>
    %slice3A_303 = vector.extract_strided_slice %convert_element_type3A_13 {offsets = [1792, 0], sizes = [128, 16], strides = [1, 1]} : vector<2048x16xf32> to vector<128x16xf32>
    %dot_general3A_304 = arith.constant dense<0.000000e+00> : vector<128x16xf32>
    %dot_general3A_305 = tpu.matmul %convert_element_type3A_65, %slice3A_303, %dot_general3A_304 {dimension_numbers = #tpu.dot_dimension_numbers<[1], [0], [0], [1], [0, 0, 1, 1], [], []>, transpose_lhs_hint = false} : vector<128x128xf32>, vector<128x16xf32>, vector<128x16xf32> -> vector<128x16xf32>
    %add3A_306 = vector.broadcast %add3A_302 : vector<1x16xf32> to vector<128x16xf32>
    %add3A_307 = arith.addf %dot_general3A_305, %add3A_306 : vector<128x16xf32>
    %mul3A_308 = arith.mulf %add3A_307, %slice3A_303 : vector<128x16xf32>
    %reduce_sum3A_309 = arith.constant dense<0.000000e+00> : vector<128xf32>
    %reduce_sum3A_310 = vector.multi_reduction <add>, %mul3A_308, %reduce_sum3A_309 [1] : vector<128x16xf32> to vector<128xf32>
    %broadcast_in_dim3A_311 = vector.shape_cast %reduce_sum3A_310 : vector<128xf32> to vector<128x1xf32>
    %convert_element_type3A_312 = arith.fptosi %broadcast_in_dim3A_311 : vector<128x1xf32> to vector<128x1xi32>
    %swap3A_313 = arith.constant 1792 : index
    %swap3A_314 = arith.constant 0 : index
    %swap3A_315 = vector.load %arg2[%swap3A_313, %swap3A_314] : memref<2048x1xi32, #tpu.memory_space<vmem>>, vector<128x1xi32>
    tpu.vector_store %arg2[%swap3A_313, %swap3A_314], %convert_element_type3A_312 {strides = array<i32>} : memref<2048x1xi32, #tpu.memory_space<vmem>>, vector<128x1xi32>,
    %reduce_sum3A_316 = arith.constant dense<0.000000e+00> : vector<16xf32>
    %reduce_sum3A_317 = vector.multi_reduction <add>, %slice3A_303, %reduce_sum3A_316 [0] : vector<128x16xf32> to vector<16xf32>
    %broadcast_in_dim3A_318 = vector.shape_cast %reduce_sum3A_317 : vector<16xf32> to vector<1x16xf32>
    %add3A_319 = arith.addf %add3A_302, %broadcast_in_dim3A_318 : vector<1x16xf32>
    %slice3A_320 = vector.extract_strided_slice %convert_element_type3A_13 {offsets = [1920, 0], sizes = [128, 16], strides = [1, 1]} : vector<2048x16xf32> to vector<128x16xf32>
    %dot_general3A_321 = arith.constant dense<0.000000e+00> : vector<128x16xf32>
    %dot_general3A_322 = tpu.matmul %convert_element_type3A_65, %slice3A_320, %dot_general3A_321 {dimension_numbers = #tpu.dot_dimension_numbers<[1], [0], [0], [1], [0, 0, 1, 1], [], []>, transpose_lhs_hint = false} : vector<128x128xf32>, vector<128x16xf32>, vector<128x16xf32> -> vector<128x16xf32>
    %add3A_323 = vector.broadcast %add3A_319 : vector<1x16xf32> to vector<128x16xf32>
    %add3A_324 = arith.addf %dot_general3A_322, %add3A_323 : vector<128x16xf32>
    %mul3A_325 = arith.mulf %add3A_324, %slice3A_320 : vector<128x16xf32>
    %reduce_sum3A_326 = arith.constant dense<0.000000e+00> : vector<128xf32>
    %reduce_sum3A_327 = vector.multi_reduction <add>, %mul3A_325, %reduce_sum3A_326 [1] : vector<128x16xf32> to vector<128xf32>
    %broadcast_in_dim3A_328 = vector.shape_cast %reduce_sum3A_327 : vector<128xf32> to vector<128x1xf32>
    %convert_element_type3A_329 = arith.fptosi %broadcast_in_dim3A_328 : vector<128x1xf32> to vector<128x1xi32>
    %swap3A_330 = arith.constant 1920 : index
    %swap3A_331 = arith.constant 0 : index
    %swap3A_332 = vector.load %arg2[%swap3A_330, %swap3A_331] : memref<2048x1xi32, #tpu.memory_space<vmem>>, vector<128x1xi32>
    tpu.vector_store %arg2[%swap3A_330, %swap3A_331], %convert_element_type3A_329 {strides = array<i32>} : memref<2048x1xi32, #tpu.memory_space<vmem>>, vector<128x1xi32>,
    return
  }
}

</mosaic_0001>

<sc_bundles>
// kernel: kernel.5.cloned.1.call-start
scs
__scs_entry_jumppad:
0x0: {  	(pc) =	sbr.rel $0x88, $3  }
0x1: {  	(tag) =	ssettag $0x0;
	lr =	simm.s32 $0x1  }
0x2: {  	[smem:$0x3F9C] =	sst lr;
	_ =	strace $0xD0000000  }
0x3: {  	_ = 	snop  }
0x4: {  	_ = 	snop  }
0x5: {  	_ = 	snop  }
0x6: {  	_ = 	snop  }
0x7: {  	_ = 	snop  }
__scs_overlays_trampoline_lowered:
0x8: {  	[smem:$0x3FAB] =	sst s0  }
0x9: {  	[smem:$0x3FAC] =	sst s1  }
0xa: {  	[smem:$0x3FAD] =	sst s2  }
0xb: {  	[smem:$0x3FAE] =	sst s3  }
0xc: {  	[smem:$0x3FAF] =	sst s4  }
0xd: {  	[smem:$0x3FB0] =	sst s5  }
0xe: {  	[smem:$0x3FB1] =	sst s6  }
0xf: {  	[smem:$0x3FB2] =	sst s7  }
0x10: {  	[smem:$0x3FB3] =	sst s8  }
0x11: {  	[smem:$0x3FB4] =	sst s9;
	s0 =	simm.s32 @!p0 $0x0  }
0x12: {  	s1 =	sld [smem:$0x3F9A];
	s0 =	simm.s32 @p0 $0x1  }
0x13: {  	[smem:$0x3FB5] =	sst s0;
	s0 =	simm.s32 @!p1 $0x0  }
0x14: {  	s2 =	sld [smem:$0x3F99];
	s0 =	simm.s32 @p1 $0x1  }
0x15: {  	[smem:$0x3FB6] =	sst s0;
	s0 =	simm.s32 @!p2 $0x0  }
0x16: {  	s3 =	sld [smem:$0x3FDB];
	s0 =	simm.s32 @p2 $0x1  }
0x17: {  	s4 =	simm.s32 $0x1BF5;
	[smem:$0x3FB8] =	sst s0  }
0x18: {  	s0 =	sld [smem:$0x3F9B];
	_ =	swait.ge [sflag:s4], $0x0  }
0x19: {  	s7 =	sld [smem:$0x3F9C]  }
0x1a: {  	s8 =	sadd.s32 $0xFFFFE003, lr  }
0x1b: {  	s9 =	sadd.s32 $0xFFFFFEF7, lr;
	s5 =	simm.s32 $0xFFFFFFFF;
	p2 =	slt.u32 s8, $0xFFFFF086  }
0x1c: {  	p1 =	slt.u32 s9, $0xF7A;
	s5 =	simm.s32 @!p2 $0x0  }
0x1d: {  	s5 =	simm.s32 @p1 $0x1;
	p0 =	seq.s32 s7, s2  }
0x1e: {  	s7 =	smul.u32 @!p0 $0xF7A, s2;
	p2 =	seq.s32 @!p0 s5, $0x0  }
0x1f: {  	s9 =	smul.u32 $0xF7A, s1;
	s8 =	simm.s32 @!p0 $0x1BF5;
	p2 =	por !p2, p0  }
0x20: {  	[sflag:s8] =	ssyncset.s32 @!p0 $0xFFFFF086;
	s6 =	sadd.s32 @!p0 s3, s7;
	s7 =	simm.s32 @!p0 $0x108  }
0x21: {  	s3 =	sadd.s32 s3, s9;
	s6 =	sadd.s32 @!p0 $0x88, s6;
	s7 =	simm.s32 @p2 $0x1082  }
0x22: {  	[simem:s7], [sflag:s8] =	dma.local @!p0 [hbm:s6], $0xF7A  }
0x23: {  	s9 =	sor.u32 $0xD0000000, s2;
	s6 =	simm.s32 $0x108;
	_ =	swait.ge @!p0 [sflag:s8], $0x0  }
0x24: {  	s3 =	sadd.s32 $0x88, s3;
	s6 =	simm.s32 @!p1 $0x1082;
	[sflag:s4] =	ssyncset.s32 $0xFFFFF086  }
0x25: {  	[simem:s6], [sflag:s4] =	dma.local [hbm:s3], $0xF7A  }
0x26: {  	[smem:$0x3F9C] =	sst s1;
	(tag) =	ssettag s2;
	_ =	strace s9  }
0x27: {  	s1 =	sld [smem:$0x3FAC]  }
0x28: {  	s2 =	sld [smem:$0x3FAD]  }
0x29: {  	s4 =	sld [smem:$0x3FAF]  }
0x2a: {  	p0 =	seq.s32 s5, $0x0;
	s5 =	sld [smem:$0x3FB0]  }
0x2b: {  	s6 =	sld [smem:$0x3FB1]  }
0x2c: {  	s7 =	sld [smem:$0x3FB2]  }
0x2d: {  	s3 =	simm.s32 $0x108;
	s8 =	sld [smem:$0x3FB3]  }
0x2e: {  	s3 =	simm.s32 @!p0 $0x1082;
	s9 =	sld [smem:$0x3FB4]  }
0x2f: {  	lr =	sadd.s32 s0, s3;
	s0 =	sld [smem:$0x3FAB]  }
0x30: {  	s3 =	sld [smem:$0x3FAE]  }
0x31: {  	[smem:$0x3FB7] =	sst s10  }
0x32: {  	s10 =	sld [smem:$0x3FB5];
	_ =	sdelay $0x3  }
0x33: {  	p0 =	seq.s32 s10, $0x1;
	s10 =	sld [smem:$0x3FB7];
	_ =	sdelay $0x3  }
0x34: {  	[smem:$0x3FB7] =	sst s10  }
0x35: {  	s10 =	sld [smem:$0x3FB6];
	_ =	sdelay $0x3  }
0x36: {  	p1 =	seq.s32 s10, $0x1;
	s10 =	sld [smem:$0x3FB7];
	_ =	sdelay $0x3  }
0x37: {  	[smem:$0x3FB7] =	sst s10  }
0x38: {  	s10 =	sld [smem:$0x3FB8]  }
0x39: {  	_ = 	snop;
	(pc) =	sbr.ind lr, $3  }
0x3a: {  	_ = 	snop  }
0x3b: {  	_ = 	snop  }
0x3c: {  	p2 =	seq.s32 s10, $0x1;
	s10 =	sld [smem:$0x3FB7]  }
0x3d: {  	_ =	shalt  }
0x3e: {  	_ =	shalt  }
0x3f: {  	_ =	shalt  }
0x40: {  	_ =	shalt  }
0x41: {  	_ =	shalt  }
0x42: {  	_ =	shalt  }
0x43: {  	_ =	shalt  }
0x44: {  	_ =	shalt  }
0x45: {  	_ =	shalt  }
0x46: {  	_ =	shalt  }
0x47: {  	_ =	shalt  }
0x48: {  	_ =	shalt  }
0x49: {  	_ =	shalt  }
0x4a: {  	_ =	shalt  }
0x4b: {  	_ =	shalt  }
0x4c: {  	_ =	shalt  }
0x4d: {  	_ =	shalt  }
0x4e: {  	_ =	shalt  }
0x4f: {  	_ =	shalt  }
0x50: {  	_ =	shalt  }
0x51: {  	_ =	shalt  }
0x52: {  	_ =	shalt  }
0x53: {  	_ =	shalt  }
0x54: {  	_ =	shalt  }
0x55: {  	_ =	shalt  }
0x56: {  	_ =	shalt  }
0x57: {  	_ =	shalt  }
0x58: {  	_ =	shalt  }
0x59: {  	_ =	shalt  }
0x5a: {  	_ =	shalt  }
0x5b: {  	_ =	shalt  }
0x5c: {  	_ =	shalt  }
0x5d: {  	_ =	shalt  }
0x5e: {  	_ =	shalt  }
0x5f: {  	_ =	shalt  }
0x60: {  	_ =	shalt  }
0x61: {  	_ =	shalt  }
0x62: {  	_ =	shalt  }
0x63: {  	_ =	shalt  }
0x64: {  	_ =	shalt  }
0x65: {  	_ =	shalt  }
0x66: {  	_ =	shalt  }
0x67: {  	_ =	shalt  }
0x68: {  	_ =	shalt  }
0x69: {  	_ =	shalt  }
0x6a: {  	_ =	shalt  }
0x6b: {  	_ =	shalt  }
0x6c: {  	_ =	shalt  }
0x6d: {  	_ =	shalt  }
0x6e: {  	_ =	shalt  }
0x6f: {  	_ =	shalt  }
0x70: {  	_ =	shalt  }
0x71: {  	_ =	shalt  }
0x72: {  	_ =	shalt  }
0x73: {  	_ =	shalt  }
0x74: {  	_ =	shalt  }
0x75: {  	_ =	shalt  }
0x76: {  	_ =	shalt  }
0x77: {  	_ =	shalt  }
0x78: {  	_ =	shalt  }
0x79: {  	_ =	shalt  }
0x7a: {  	_ =	shalt  }
0x7b: {  	_ =	shalt  }
0x7c: {  	_ =	shalt  }
0x7d: {  	_ =	shalt  }
0x7e: {  	_ =	shalt  }
0x7f: {  	_ =	shalt  }
0x80: {  	_ =	shalt  }
0x81: {  	_ =	shalt  }
0x82: {  	_ =	shalt  }
0x83: {  	_ =	shalt  }
0x84: {  	_ =	shalt  }
0x85: {  	_ =	shalt  }
0x86: {  	_ =	shalt  }
0x87: {  	_ =	shalt  }
.Lfunc_end0:
.L_simem_size_0:
called_computation_lowered:
.L_overlay_start_0:
0x88: {  	s2 =	sld [smem:$0x3FD9]  }
0x89: {  	s3 =	sld [smem:$0x3FFE];
	_ =	sdelay $0x1  }
0x8a: {  	s1 =	srdreg.scid  }
0x8b: {  	s0 =	sand.u32 $0x1, s1  }
0x8c: {  	s17 =	sshll.u32 s0, $0xA;
	s2 =	sadd.s32 s3, s2  }
0x8d: {  	s2 =	sadd.s32 s2, s17  }
0x8e: {  	[smem:$0x3FC3] =	sst s2  }
0x8f: {  	_ = 	snop  }
0x90: {  	s2 =	sld [smem:$0x3FD0];
	(tm) =	ssettm $0x1  }
0x91: {  	s18 =	sld [smem:$0x3FFB];
	_ =	sdelay $0x3  }
0x92: {  	_ =	strace s18  }
0x93: {  	s3 =	sld [smem:$0x3FFC];
	_ =	sdelay $0x3  }
0x94: {  	_ =	strace s3  }
0x95: {  	s3 =	sld [smem:$0x3FFD];
	_ =	sdelay $0x3  }
0x96: {  	_ =	strace s3  }
0x97: {  	_ =	strace $0x8FFFFFFF  }
0x98: {  	s19 =	sld [smem:$0x3FDB];
	_ =	sdelay $0x1  }
0x99: {  	s4 =	simm.s32 $_scs_section_size  }
0x9a: {  	s5 =	simm.s32 $_size__tile_overlayer_lowered;
	s6 =	simm.s32 $_tile_overlayer_lowered  }
0x9b: {  	s22 =	simm.s32 $0x1BFF;
	s21 =	sshll.u32 s6, $0x1;
	s3 =	sadd.s32 s4, s19  }
0x9c: {  	s7 =	simm.s32 $0x0;
	s20 =	sshll.u32 s5, $0x1;
	s5 =	sadd.s32 s21, s3  }
0x9d: {  	[timem:s7], [sflag:s22] =	dma.local [hbm:s5], s20  }
0x9e: {  	_ =	swait.ge [sflag:s22], s20  }
0x9f: {  	s4 =	ssub.s32 $0x0, s20;
	[sflag:s22] =	ssyncset.done $0x0  }
0xa0: {  	[sflag:s22] =	ssyncadd.s32 s4;
	_ =	sdelay $0x1  }
0xa1: {  	s23 =	simm.s32 $0x1B8B  }
0xa2: {  	_ =	swait.ge [sflag:s23], $0x1  }
0xa3: {  	[sflag:s23] =	ssyncset.done $0x0  }
0xa4: {  	s25 =	simm.s32 $0x1B8E;
	s24 =	sld [smem:$0x3FFE];
	[sflag:s23] =	ssyncadd.s32 $0xFFFFFFFF  }
0xa5: {  	s26 =	simm.s32 $execute0_lowered;
	[smem:$0x3FD2] =	sst s25  }
0xa6: {  	s5 =	sshll.u32 s26, $0x1;
	_ =	strace $0x80000046;
	[dreg:$0x1] =	wrdreg $0xFFFFFFFF  }
0xa7: {  	s28 =	simm.s32 $_size_execute0_lowered;
	s3 =	sadd.s32 s3, s5;
	[dreg:$0x0] =	wrdreg $0x0  }
0xa8: {  	s5 =	sshll.u32 s28, $0x1;
	[dreg:$0x2] =	wrdreg s3  }
0xa9: {  	[dreg:$0x3] =	wrdreg s5  }
0xaa: {  	[dreg:$0x4] =	wrdreg $0xC0  }
0xab: {  	_ =	task [dreg:s7], $0x5FFFF  }
0xac: {  	[dreg:$0x1] =	wrdreg $0xFFFFFFFF  }
0xad: {  	[dreg:$0x0] =	wrdreg $0x60  }
0xae: {  	[dreg:$0x2] =	wrdreg s24  }
0xaf: {  	[dreg:$0x3] =	wrdreg s2  }
0xb0: {  	[dreg:$0x4] =	wrdreg $0x9  }
0xb1: {  	_ =	task.clear_ibuf [dreg:s7], $0x5FFFF;
	_ =	strace $0x90000046  }
0xb2: {  	s29 =	simm.s32 $0x9;
	_ =	strace $0x80000048  }
0xb3: {  	_ =	swait.ge [sflag:s29], $0x1  }
0xb4: {  	[sflag:s29] =	ssyncadd.s32 $0xFFFFFFFF  }
0xb5: {  	_ =	strace $0x90000048  }
0xb6: {  	_ =	sfence  }
0xb7: {  	s30 =	sld [smem:$0x0];
	_ =	sdelay $0x2  }
0xb8: {  	s31 =	sshll.u32 s1, $0xD;
	s1 =	sshrl.u32 s1, $0x2  }
0xb9: {  	s3 =	sand.u32 $0x4000, s31;
	s1 =	sadd.s32 s1, s30  }
0xba: {  	s0 =	sor.u32 s3, s0;
	s1 =	sshll.u32 s1, $0x11  }
0xbb: {  	s0 =	sor.u32 s1, s0  }
0xbc: {  	s0 =	sadd.s32 $0x8F2B, s0  }
0xbd: {  	[sflag:s0] =	ssyncadd.remote.s32 $0x1  }
0xbe: {  	_ =	sfence.sel $0xFFFF  }
0xbf: {  	[dreg:$0x0] =	wrdreg $0xFFFFFFFF;
	(pc) =	sbr.abs _section_cstart, $3  }
0xc0: {  	[dreg:$0x1] =	wrdreg $0xFFFFFFFF  }
0xc1: {  	_ =	task.clear_ibuf [dreg:s7], $0x2FFFF;
	_ =	strace $0x9FFFFFFF  }
0xc2: {  	(tm) =	ssettm $0x7FFFFFFF  }
0xc3: {  	_ =	shalt  }
tec
execute0_lowered:
.L_overlay_start_1:
0x0: {  	(tag) =	ssettag $0x1  }
0x1: {  	s1 =	srdreg.scid  }
0x2: {  	s0 =	stileid.u32;
	s6 =	rddreg [dreg:$0x0]  }
0x3: {  	s4 =	rddreg [dreg:$0x1];
	s18 =	simm.s32 $0x880;
	s19 =	simm.s32 $0x1080  }
0x4: {  	s20 =	simm.s32 $0x1880;
	s22 =	simm.s32 $0x2080;
	s23 =	simm.s32 $0x2880  }
0x5: {  	s7 =	simm.s32 $0x3080;
	s24 =	simm.s32 $0x3880;
	s8 =	simm.s32 $0x4080  }
0x6: {  	s25 =	simm.s32 $0x4880;
	s26 =	simm.s32 $0x5080;
	s1 =	sand.u32 $0x1, s1  }
0x7: {  	s9 =	simm.s32 $0x80;
	s2 =	sshll.u32 s0, $0x7;
	s3 =	sshll.u32 s1, $0x6  }
0x8: {  	s11 =	simm.s32 $0x6080;
	s3 =	sor.u32 s3, s2;
	s2 =	simm.s32 $0x0  }
0x9: {  	s12 =	simm.s32 $0x6880;
	s13 =	simm.s32 $0x7080;
	[smem:$0x7FF] =	sst s2  }
0xa: {  	s14 =	simm.s32 $0x7880;
	_ =	strace $0x80000047;
	[dreg:$0x5] =	wrdreg s18  }
0xb: {  	s15 =	simm.s32 $0x8080;
	s16 =	simm.s32 $0x8880;
	[dreg:$0x6] =	wrdreg s19  }
0xc: {  	s17 =	simm.s32 $0x9080;
	s28 =	simm.s32 $0xE080;
	[dreg:$0x7] =	wrdreg s20  }
0xd: {  	s29 =	simm.s32 $0xE880;
	s30 =	simm.s32 $0xF080;
	[dreg:$0x8] =	wrdreg s22  }
0xe: {  	s31 =	simm.s32 $0xF880;
	s1 =	ssub.s32 $0x2, s1;
	[dreg:$0x9] =	wrdreg s23  }
0xf: {  	s21 =	sshrl.u32 s1, $0x1;
	s5 =	sshrl.u32 s3, $0x3;
	[dreg:$0xa] =	wrdreg s7  }
0x10: {  	s3 =	sshll.u32 s3, $0x7;
	s1 =	ssub.s32 s1, s21;
	[dreg:$0xb] =	wrdreg s24  }
0x11: {  	s21 =	simm.s32 $0xB080;
	s5 =	sadd.s32 s5, s6;
	[dreg:$0xc] =	wrdreg s8  }
0x12: {  	s3 =	sadd.s32 s4, s3;
	s4 =	sadd.s32 $0x700, s6;
	[dreg:$0xd] =	wrdreg s25  }
0x13: {  	s7 =	smax.u32 s1, $0x1;
	s8 =	simm.s32 $0x2;
	[dreg:$0xe] =	wrdreg s26  }
0x14: {  	s18 =	simm.s32 $0x9880;
	s19 =	simm.s32 $0xA080;
	s20 =	simm.s32 $0xA880  }
0x15: {  	s22 =	simm.s32 $0xB880;
	s23 =	simm.s32 $0xC080;
	s24 =	simm.s32 $0xC880  }
0x16: {  	v2 =	vlaneseq.u32;
	s25 =	simm.s32 $0xD080;
	s26 =	simm.s32 $0xD880;
	s1 =	simm.s32 $0x1  }
0x17: {  	vm0 =	vmmov $0xffff;
	v1 =	vshrl.u32 v2, $0x3;
	s5 =	sadd.s32 $0x400, s5;
	[dreg:$0x4] =	wrdreg s3;
	s3 =	sadd.s32 $0x600, s6  }
0x18: {  	v0 =	vand.u32 $0x7, v2;
	v2 =	vor.u32 $0x8, v2;
	v1 =	vmul.u32 $0x8, v1;
	[dreg:$0x3] =	wrdreg s5;
	s5 =	sadd.s32 $0x800, s6;
	s6 =	sadd.s32 $0x900, s6  }
.LBB2_1:
0x19: {  	s0 =	rddreg [dreg:$0x3]  }
0x1a: {  	[tilespmem:s2], [sflag:$0x2] =	stream.linear.gather [hbm4b:s0+s2], $0x40, $0x38;
	[tilespmem:$0x10080] =	vst v63  }
0x1b: {  	_ =	swait.ge [sflag:s8], $0x40  }
0x1c: {  	[sflag:s8] =	ssyncset.done $0x0  }
0x1d: {  	[sflag:s8] =	ssyncadd.s32 $0xFFFFFFC0  }
0x1e: {  	v3 =	vld [tilespmem:$0x0];
	_ =	sdelay $0x4  }
0x1f: {  	v4 =	vshll.u32 v3, $0x3  }
0x20: {  	v3 =	vand.u32 $0x7, v3;
	v4 =	vand.u32 $0xFFFFFFC0, v4  }
0x21: {  	v3 =	vor.u32 v3, v4  }
0x22: {  	v4 =	vperm.xlane v3, v0;
	_ =	sdelay $0x1  }
0x23: {  	v4 =	vadd.s32 v1, v4;
	_ =	sdelay $0x4  }
0x24: {  	[tilespmem:s9], [sflag:$0x1] =	stream.indirect_vreg.gather [hbm4b:s3+s2], $0x80, v4, vm0, $0xb8;
	[tilespmem:$0x10080] =	vst v63  }
0x25: {  	s0 =	rddreg [dreg:$0x5];
	v3 =	vperm.xlane v3, v2  }
0x26: {  	[tilespmem:s0], [sflag:$0x1] =	stream.indirect_vreg.gather [hbm4b:s4+s2], $0x80, v4, vm0, $0xb8;
	[tilespmem:$0x10080] =	vst v63  }
0x27: {  	s10 =	rddreg [dreg:$0x6];
	v3 =	vadd.s32 v1, v3  }
0x28: {  	[tilespmem:s10], [sflag:$0x1] =	stream.indirect_vreg.gather [hbm4b:s5+s2], $0x80, v4, vm0, $0xb8;
	[tilespmem:$0x10080] =	vst v63  }
0x29: {  	s0 =	rddreg [dreg:$0x7]  }
0x2a: {  	[tilespmem:s0], [sflag:$0x1] =	stream.indirect_vreg.gather [hbm4b:s6+s2], $0x80, v4, vm0, $0xb8;
	[tilespmem:$0x10080] =	vst v63  }
0x2b: {  	s10 =	rddreg [dreg:$0x8]  }
0x2c: {  	[tilespmem:s10], [sflag:$0x1] =	stream.indirect_vreg.gather [hbm4b:s3+s2], $0x80, v3, vm0, $0xb8;
	[tilespmem:$0x10080] =	vst v63  }
0x2d: {  	s0 =	rddreg [dreg:$0x9]  }
0x2e: {  	[tilespmem:s0], [sflag:$0x1] =	stream.indirect_vreg.gather [hbm4b:s4+s2], $0x80, v3, vm0, $0xb8;
	[tilespmem:$0x10080] =	vst v63  }
0x2f: {  	s10 =	rddreg [dreg:$0xa]  }
0x30: {  	[tilespmem:s10], [sflag:$0x1] =	stream.indirect_vreg.gather [hbm4b:s5+s2], $0x80, v3, vm0, $0xb8;
	[tilespmem:$0x10080] =	vst v63  }
0x31: {  	s0 =	rddreg [dreg:$0xb]  }
0x32: {  	[tilespmem:s0], [sflag:$0x1] =	stream.indirect_vreg.gather [hbm4b:s6+s2], $0x80, v3, vm0, $0xb8;
	[tilespmem:$0x10080] =	vst v63  }
0x33: {  	v3 =	vld [tilespmem:$0x10];
	_ =	sdelay $0x4  }
0x34: {  	v61 =	vshll.u32 v3, $0x3  }
0x35: {  	v3 =	vand.u32 $0x7, v3;
	v4 =	vand.u32 $0xFFFFFFC0, v61  }
0x36: {  	v3 =	vor.u32 v3, v4  }
0x37: {  	v4 =	vperm.xlane v3, v0;
	_ =	sdelay $0x1  }
0x38: {  	v4 =	vadd.s32 v1, v4;
	_ =	sdelay $0x3  }
0x39: {  	s0 =	rddreg [dreg:$0xc]  }
0x3a: {  	[tilespmem:s0], [sflag:$0x1] =	stream.indirect_vreg.gather [hbm4b:s3+s2], $0x80, v4, vm0, $0xb8;
	[tilespmem:$0x10080] =	vst v63  }
0x3b: {  	s10 =	rddreg [dreg:$0xd];
	v3 =	vperm.xlane v3, v2  }
0x3c: {  	[tilespmem:s10], [sflag:$0x1] =	stream.indirect_vreg.gather [hbm4b:s4+s2], $0x80, v4, vm0, $0xb8;
	[tilespmem:$0x10080] =	vst v63  }
0x3d: {  	v3 =	vadd.s32 v1, v3;
	s0 =	rddreg [dreg:$0xe]  }
0x3e: {  	[tilespmem:s0], [sflag:$0x1] =	stream.indirect_vreg.gather [hbm4b:s5+s2], $0x80, v4, vm0, $0xb8;
	[tilespmem:$0x10080] =	vst v63  }
0x3f: {  	s10 =	simm.s32 $0x5880  }
0x40: {  	[tilespmem:s10], [sflag:$0x1] =	stream.indirect_vreg.gather [hbm4b:s6+s2], $0x80, v4, vm0, $0xb8;
	[tilespmem:$0x10080] =	vst v63  }
0x41: {  	_ = 	snop  }
0x42: {  	[tilespmem:s11], [sflag:$0x1] =	stream.indirect_vreg.gather [hbm4b:s3+s2], $0x80, v3, vm0, $0xb8;
	[tilespmem:$0x10080] =	vst v63  }
0x43: {  	_ = 	snop  }
0x44: {  	[tilespmem:s12], [sflag:$0x1] =	stream.indirect_vreg.gather [hbm4b:s4+s2], $0x80, v3, vm0, $0xb8;
	[tilespmem:$0x10080] =	vst v63  }
0x45: {  	_ = 	snop  }
0x46: {  	[tilespmem:s13], [sflag:$0x1] =	stream.indirect_vreg.gather [hbm4b:s5+s2], $0x80, v3, vm0, $0xb8;
	[tilespmem:$0x10080] =	vst v63  }
0x47: {  	_ = 	snop  }
0x48: {  	[tilespmem:s14], [sflag:$0x1] =	stream.indirect_vreg.gather [hbm4b:s6+s2], $0x80, v3, vm0, $0xb8;
	[tilespmem:$0x10080] =	vst v63  }
0x49: {  	v3 =	vld [tilespmem:$0x20];
	_ =	sdelay $0x4  }
0x4a: {  	v62 =	vshll.u32 v3, $0x3  }
0x4b: {  	v3 =	vand.u32 $0x7, v3;
	v4 =	vand.u32 $0xFFFFFFC0, v62  }
0x4c: {  	v3 =	vor.u32 v3, v4  }
0x4d: {  	v4 =	vperm.xlane v3, v0;
	_ =	sdelay $0x1  }
0x4e: {  	v4 =	vadd.s32 v1, v4;
	_ =	sdelay $0x4  }
0x4f: {  	[tilespmem:s15], [sflag:$0x1] =	stream.indirect_vreg.gather [hbm4b:s3+s2], $0x80, v4, vm0, $0xb8;
	[tilespmem:$0x10080] =	vst v63  }
0x50: {  	v3 =	vperm.xlane v3, v2  }
0x51: {  	[tilespmem:s16], [sflag:$0x1] =	stream.indirect_vreg.gather [hbm4b:s4+s2], $0x80, v4, vm0, $0xb8;
	[tilespmem:$0x10080] =	vst v63  }
0x52: {  	v3 =	vadd.s32 v1, v3  }
0x53: {  	[tilespmem:s17], [sflag:$0x1] =	stream.indirect_vreg.gather [hbm4b:s5+s2], $0x80, v4, vm0, $0xb8;
	[tilespmem:$0x10080] =	vst v63  }
0x54: {  	_ = 	snop  }
0x55: {  	[tilespmem:s18], [sflag:$0x1] =	stream.indirect_vreg.gather [hbm4b:s6+s2], $0x80, v4, vm0, $0xb8;
	[tilespmem:$0x10080] =	vst v63  }
0x56: {  	_ = 	snop  }
0x57: {  	[tilespmem:s19], [sflag:$0x1] =	stream.indirect_vreg.gather [hbm4b:s3+s2], $0x80, v3, vm0, $0xb8;
	[tilespmem:$0x10080] =	vst v63  }
0x58: {  	_ = 	snop  }
0x59: {  	[tilespmem:s20], [sflag:$0x1] =	stream.indirect_vreg.gather [hbm4b:s4+s2], $0x80, v3, vm0, $0xb8;
	[tilespmem:$0x10080] =	vst v63  }
0x5a: {  	_ = 	snop  }
0x5b: {  	[tilespmem:s21], [sflag:$0x1] =	stream.indirect_vreg.gather [hbm4b:s5+s2], $0x80, v3, vm0, $0xb8;
	[tilespmem:$0x10080] =	vst v63  }
0x5c: {  	_ = 	snop  }
0x5d: {  	[tilespmem:s22], [sflag:$0x1] =	stream.indirect_vreg.gather [hbm4b:s6+s2], $0x80, v3, vm0, $0xb8;
	[tilespmem:$0x10080] =	vst v63  }
0x5e: {  	v3 =	vld [tilespmem:$0x30];
	_ =	sdelay $0x4  }
0x5f: {  	v63 =	vshll.u32 v3, $0x3  }
0x60: {  	v3 =	vand.u32 $0x7, v3;
	v4 =	vand.u32 $0xFFFFFFC0, v63  }
0x61: {  	v3 =	vor.u32 v3, v4  }
0x62: {  	v4 =	vperm.xlane v3, v0;
	_ =	sdelay $0x1  }
0x63: {  	v4 =	vadd.s32 v1, v4;
	_ =	sdelay $0x4  }
0x64: {  	[tilespmem:s23], [sflag:$0x1] =	stream.indirect_vreg.gather [hbm4b:s3+s2], $0x80, v4, vm0, $0xb8;
	[tilespmem:$0x10080] =	vst v63  }
0x65: {  	v3 =	vperm.xlane v3, v2  }
0x66: {  	[tilespmem:s24], [sflag:$0x1] =	stream.indirect_vreg.gather [hbm4b:s4+s2], $0x80, v4, vm0, $0xb8;
	[tilespmem:$0x10080] =	vst v63  }
0x67: {  	v3 =	vadd.s32 v1, v3  }
0x68: {  	[tilespmem:s25], [sflag:$0x1] =	stream.indirect_vreg.gather [hbm4b:s5+s2], $0x80, v4, vm0, $0xb8;
	[tilespmem:$0x10080] =	vst v63  }
0x69: {  	_ = 	snop  }
0x6a: {  	[tilespmem:s26], [sflag:$0x1] =	stream.indirect_vreg.gather [hbm4b:s6+s2], $0x80, v4, vm0, $0xb8;
	[tilespmem:$0x10080] =	vst v63  }
0x6b: {  	_ = 	snop  }
0x6c: {  	[tilespmem:s28], [sflag:$0x1] =	stream.indirect_vreg.gather [hbm4b:s3+s2], $0x80, v3, vm0, $0xb8;
	[tilespmem:$0x10080] =	vst v63  }
0x6d: {  	_ = 	snop  }
0x6e: {  	[tilespmem:s29], [sflag:$0x1] =	stream.indirect_vreg.gather [hbm4b:s4+s2], $0x80, v3, vm0, $0xb8;
	[tilespmem:$0x10080] =	vst v63  }
0x6f: {  	_ = 	snop  }
0x70: {  	[tilespmem:s30], [sflag:$0x1] =	stream.indirect_vreg.gather [hbm4b:s5+s2], $0x80, v3, vm0, $0xb8;
	[tilespmem:$0x10080] =	vst v63  }
0x71: {  	_ = 	snop  }
0x72: {  	[tilespmem:s31], [sflag:$0x1] =	stream.indirect_vreg.gather [hbm4b:s6+s2], $0x80, v3, vm0, $0xb8;
	[tilespmem:$0x10080] =	vst v63  }
0x73: {  	_ =	swait.ge [sflag:s1], $0x10000  }
0x74: {  	p0 =	sne.s32 s7, $0x1;
	[sflag:s1] =	ssyncset.done $0x0  }
.Ltmp0:
0x75: {  	s10 =	rddreg [dreg:$0x4];
	[sflag:s1] =	ssyncadd.s32 $0xFFFF0000;
	(pc) =	sbr.rel @p0 .LBB2_1-.Ltmp0, $4  }
0x76: {  	[hbm4b:s10+s2] =	stream.linear.scatter [tilespmem:s9], [sflag:$0x2], $0x10000, $0x38;
	[tilespmem:$0x10080] =	vst v63  }
0x77: {  	_ =	swait.ge [sflag:s8], $0x10000  }
0x78: {  	[sflag:s8] =	ssyncset.done $0x0  }
0x79: {  	s7 =	sadd.s32 $0xFFFFFFFF, s7;
	[sflag:s8] =	ssyncadd.s32 $0xFFFF0000  }
0x7a: {  	_ =	sfence.sel $0x180000  }
0x7b: {  	[bflag:$0x0] =	sbarrier.arrive $0xFFFF  }
0x7c: {  	_ =	strace $0x90000047  }
0x7d: {  	s0 =	stileid.u32;
	[bflag:$0x2] =	sbarrier.arrive $0xFFFF  }
0x7e: {  	p0 =	sne.s32 s0, $0x0;
	s0 =	rddreg [dreg:$0x2]  }
0x7f: {  	s0 =	sadd.s32 @!p0 $0x100000, s0  }
0x80: {  	[sflag:s0] =	ssyncadd.tile.s32 @!p0 $0x1;
	_ =	shalt  }
.Lfunc_end2:
_tile_overlayer_lowered:
.L_overlay_start_2:
0x81: {  	(tag) =	ssettag $0x2  }
0x82: {  	s0 =	rddreg [dreg:$0x0];
	s2 =	stileid.u32  }
0x83: {  	s1 =	rddreg [dreg:$0x1];
	p0 =	sne.s32 s2, $0x0  }
0x84: {  	s3 =	rddreg [dreg:$0x2];
	[bflag:$0x3] =	sbarrier.arrive $0xFFFF;
	s2 =	simm.s32 @!p0 $0x1C02  }
0x85: {  	[timem:s3], [sflag:s2] =	dma.local @!p0 [hbm:s0], s1  }
0x86: {  	s0 =	simm.s32 @!p0 $0x2  }
0x87: {  	_ =	swait.ge @!p0 [sflag:s0], s1  }
0x88: {  	s1 =	ssub.s32 @!p0 $0x0, s1;
	[sflag:s0] =	ssyncset.done @!p0 $0x0  }
0x89: {  	[sflag:s0] =	ssyncadd.s32 @!p0 s1  }
0x8a: {  	[bflag:$0x3] =	sbarrier.arrive $0xFFFF  }
0x8b: {  	_ =	shalt  }

</sc_bundles>
